<compile_context>
chip_gen: v7x
topology: tpu7x:2x2x1
jax: 0.10.2.dev20260603
libtpu: 0.0.44.dev20260713+nightly
codegen_flags: <defaults>
</compile_context>

<pallas_src>
import functools

import jax
import jax.numpy as jnp
from jax import lax
from jax.experimental import pallas as pl
from jax.experimental.pallas import tpu as pltpu
from jax.experimental.pallas import tpu_sc as plsc

EMBED_DIM = 1024
CHAR_EMB = 32
CPT = 32
NCH = 513


def _make_gather_kernel(n_s, info):
    nw = info.num_cores * info.num_subcores
    per_w = n_s // nw
    c = 40
    n_chunks = per_w // c
    assert per_w % c == 0 and (c * CPT) % 128 == 0 and n_chunks % 2 == 0
    g = (c * CPT) // 128

    mesh = plsc.VectorSubcoreMesh(core_axis_name="c", subcore_axis_name="s")

    @functools.partial(
        pl.kernel,
        mesh=mesh,
        compiler_params=pltpu.CompilerParams(use_tc_tiling_on_sc=False),
        out_type=jax.ShapeDtypeStruct((n_s * CPT, CHAR_EMB), jnp.float32),
        scratch_types=[
            pltpu.VMEM_SHARED((NCH, CHAR_EMB), jnp.float32),
            pltpu.VMEM((c,), jnp.int32),
            pltpu.VMEM((c, CPT), jnp.int32),
            pltpu.VMEM((g, 128), jnp.int32),
            pltpu.VMEM((c * CPT, CHAR_EMB), jnp.float32),
            pltpu.VMEM((c * CPT, CHAR_EMB), jnp.float32),
            pltpu.SemaphoreType.DMA,
            pltpu.SemaphoreType.DMA,
            pltpu.SemaphoreType.DMA,
            pltpu.SemaphoreType.DMA,
        ],
    )
    def k(flat_hbm, tci_hbm, w_hbm, out_hbm,
          w_sh, tok_v, chars_v, idx_v, emb0, emb1, sem1, sem2, so0, so1):
        wid = lax.axis_index("s") * info.num_cores + lax.axis_index("c")
        base = wid * per_w

        @pl.when(lax.axis_index("s") == 0)
        def _load_table():
            pltpu.sync_copy(w_hbm, w_sh)

        plsc.subcore_barrier()

        def fill(i, emb):
            b = base + i * c
            pltpu.sync_copy(flat_hbm.at[pl.ds(b, c)], tok_v)
            pltpu.async_copy(tci_hbm.at[tok_v], chars_v, sem1).wait()

            def flat_body(q, carry):
                row = q >> 1
                off = (q & 1) << 4
                v = chars_v[row, pl.ds(off, 16)]
                idx_v[(q >> 3), pl.ds(((q & 7) << 4), 16)] = v
                return carry

            lax.fori_loop(0, c * 2, flat_body, 0)

            for j in range(g):
                pltpu.async_copy(
                    w_sh.at[idx_v.at[j]], emb.at[pl.ds(j * 128, 128)], sem2
                )
            for j in range(g):
                pltpu.make_async_copy(
                    w_sh.at[idx_v.at[j]], emb.at[pl.ds(j * 128, 128)], sem2
                ).wait()

        def fire_out(i, emb, so):
            b = base + i * c
            pltpu.async_copy(emb, out_hbm.at[pl.ds(b * CPT, c * CPT)], so)

        def wait_out(i, emb, so):
            b = base + i * c
            pltpu.make_async_copy(
                emb, out_hbm.at[pl.ds(b * CPT, c * CPT)], so
            ).wait()

        fill(0, emb0)
        fire_out(0, emb0, so0)
        fill(1, emb1)
        fire_out(1, emb1, so1)

        def pair_body(p, carry):
            i0 = p * 2
            wait_out(i0 - 2, emb0, so0)
            fill(i0, emb0)
            fire_out(i0, emb0, so0)
            wait_out(i0 - 1, emb1, so1)
            fill(i0 + 1, emb1)
            fire_out(i0 + 1, emb1, so1)
            return carry

        lax.fori_loop(1, n_chunks // 2, pair_body, 0)
        wait_out(n_chunks - 2, emb0, so0)
        wait_out(n_chunks - 1, emb1, so1)

    return k


def kernel(input, tokens_chars_idx, char_emb_weight):
    flat = input.reshape(-1)
    n = flat.shape[0]

    info = plsc.get_sparse_core_info()
    k = _make_gather_kernel(n, info)

    out = k(flat, tokens_chars_idx, char_emb_weight)
    return out.reshape(n, EMBED_DIM)

# --- scband reference (transcript-rebuilt; emitter-appended) ---
"""Pipeline reference for scband-unicode-characters-embedding-78821239816767 (READ-ONLY COPY).

The authoritative reference and input builder live on the scoring server;
editing this copy changes nothing except your own understanding.
"""

import jax, jax.numpy as jnp
import numpy as np

EMBED_DIM = 1024
CHAR_EMB_SIZE = 32
CHARS_PER_TOKEN = EMBED_DIM // CHAR_EMB_SIZE  # 32
VOCAB = 100000
N_CHARS = 513  # 512 distinct chars + index 0 reserved as 'no char' / padding (zero embedding)
BSZ, SEQ = 1024, 50


def setup_inputs(seed: int = 0) -> dict:
    key = jax.random.key(seed)
    k1, k2, k3 = jax.random.split(key, 3)
    inp = jax.random.randint(k1, (BSZ, SEQ), 0, VOCAB, dtype=jnp.int32)
    # precomputed token -> character-index table (buffer, built in __init__)
    tokens_chars_idx = jax.random.randint(k2, (VOCAB, CHARS_PER_TOKEN), 0, N_CHARS, dtype=jnp.int32)
    # first 5 vocab entries are special symbols that are skipped -> all-zero char indices
    tokens_chars_idx = tokens_chars_idx.at[:5].set(0)
    # char_rand_embedding weight; row 0 constant-initialized to zero (padding char)
    char_emb_weight = jax.random.normal(k3, (N_CHARS, CHAR_EMB_SIZE), dtype=jnp.float32)
    char_emb_weight = char_emb_weight.at[0].set(0.0)
    return {"input": inp, "tokens_chars_idx": tokens_chars_idx, "char_emb_weight": char_emb_weight}


def reference(input, tokens_chars_idx, char_emb_weight):
    # UnicodeCharactersEmbedding.get_embedding with rand_embedding=True, embd_scale=False:
    #   chars_idx = tokens_chars_idx[input.view(-1)]
    #   emb = F.embedding(chars_idx, char_rand_embedding.weight).view(len(input_tokens), -1)
    flat = input.reshape(-1)                                  # [bsz*seq]
    chars_idx = jnp.take(tokens_chars_idx, flat, axis=0)      # [bsz*seq, 32]
    emb = jnp.take(char_emb_weight, chars_idx, axis=0)        # [bsz*seq, 32, 32]
    emb_matrix = emb.reshape(flat.shape[0], EMBED_DIM)        # [bsz*seq, 1024]
    return emb_matrix

if __name__ == "__main__":
    import jax
    _d = setup_inputs()
    print(jax.jit(kernel)(*tuple(_d.values())))

</pallas_src>

<mosaic_0001>
#map = affine_map<(d0, d1) -> (0)>
#map1 = affine_map<(d0, d1) -> (0, 0)>
module attributes {stable_mosaic.version = 14 : i64} {
  func.func @k(%arg0: i32, %arg1: i32, %arg2: memref<51200xi32, #tpu.memory_space<hbm>>, %arg3: memref<100000x32xi32, #tpu.memory_space<hbm>>, %arg4: memref<513x32xf32, #tpu.memory_space<hbm>>, %arg5: memref<1638400x32xf32, #tpu.memory_space<hbm>>, %arg6: memref<513x32xf32, #tpu.memory_space<vmem_shared>>, %arg7: memref<40xi32, #tpu.memory_space<vmem>>, %arg8: memref<40x32xi32, #tpu.memory_space<vmem>>, %arg9: memref<10x128xi32, #tpu.memory_space<vmem>>, %arg10: memref<1280x32xf32, #tpu.memory_space<vmem>>, %arg11: memref<1280x32xf32, #tpu.memory_space<vmem>>, %arg12: memref<!tpu.dma_semaphore, #tpu.memory_space<semaphore_mem>>, %arg13: memref<!tpu.dma_semaphore, #tpu.memory_space<semaphore_mem>>, %arg14: memref<!tpu.dma_semaphore, #tpu.memory_space<semaphore_mem>>, %arg15: memref<!tpu.dma_semaphore, #tpu.memory_space<semaphore_mem>>) attributes {dimension_semantics = [#tpu.dimension_semantics<core_parallel>, #tpu.dimension_semantics<subcore_parallel>], iteration_bounds = array<i64: 2, 16>, scalar_prefetch = 0 : i64, scratch_operands = 10 : i64, tpu.core_type = #tpu.core_type<sc_vector_subcore>, window_params = [{transform_indices = #map}, {transform_indices = #map1}, {transform_indices = #map1}, {transform_indices = #map1}]} {
    %mul3A = arith.constant 2 : i32
    %mul3A_0 = arith.muli %arg1, %mul3A : i32
    %add3A = arith.addi %mul3A_0, %arg0 : i32
    %mul3A_1 = arith.constant 1600 : i32
    %mul3A_2 = arith.muli %add3A, %mul3A_1 : i32
    %eq3A = arith.constant 0 : i32
    %eq3A_3 = arith.cmpi eq, %arg1, %eq3A : i32
    %convert_element_type3A = arith.extui %eq3A_3 : i1 to i32
    %cond3A = arith.constant 0 : i32
    %cond3A_4 = arith.cmpi ne, %convert_element_type3A, %cond3A : i32
    scf.if %cond3A_4 {
      "tpu.region"() ({
        %run_scoped3A = tpu.sem_alloc : memref<!tpu.dma_semaphore, #tpu.memory_space<semaphore_mem>>
        tpu.enqueue_dma source(%arg4 : memref<513x32xf32, #tpu.memory_space<hbm>>) target(%arg6 : memref<513x32xf32, #tpu.memory_space<vmem_shared>>) target_semaphore(%run_scoped3A : memref<!tpu.dma_semaphore, #tpu.memory_space<semaphore_mem>>)
        tpu.wait_dma2 semaphore(%run_scoped3A : memref<!tpu.dma_semaphore, #tpu.memory_space<semaphore_mem>>) src(%arg4 : memref<513x32xf32, #tpu.memory_space<hbm>>) dst(%arg6 : memref<513x32xf32, #tpu.memory_space<vmem_shared>>)
        tpu.yield
      }) : () -> ()
    } else {
    }
    %barrier3A = arith.constant 0 : index
    tpu.barrier barrier_id(%barrier3A)
    %add3A_5 = arith.constant 0 : i32
    %add3A_6 = arith.addi %mul3A_2, %add3A_5 : i32
    "tpu.region"() ({
      %run_scoped3A = tpu.sem_alloc : memref<!tpu.dma_semaphore, #tpu.memory_space<semaphore_mem>>
      %dma_start3A_468 = tpu.memref_slice %arg2[%add3A_6] : memref<51200xi32, #tpu.memory_space<hbm>> -> memref<40xi32, #tpu.memory_space<hbm>>
      %dma_start3A_469 = tpu.memref_slice %arg2[%add3A_6] : memref<51200xi32, #tpu.memory_space<hbm>> -> memref<40xi32, #tpu.memory_space<hbm>>
      tpu.enqueue_dma source(%dma_start3A_469 : memref<40xi32, #tpu.memory_space<hbm>>) target(%arg7 : memref<40xi32, #tpu.memory_space<vmem>>) target_semaphore(%run_scoped3A : memref<!tpu.dma_semaphore, #tpu.memory_space<semaphore_mem>>)
      %dma_wait3A_470 = tpu.memref_slice %arg2[%add3A_6] : memref<51200xi32, #tpu.memory_space<hbm>> -> memref<40xi32, #tpu.memory_space<hbm>>
      %dma_wait3A_471 = tpu.memref_slice %arg2[%add3A_6] : memref<51200xi32, #tpu.memory_space<hbm>> -> memref<40xi32, #tpu.memory_space<hbm>>
      tpu.wait_dma2 semaphore(%run_scoped3A : memref<!tpu.dma_semaphore, #tpu.memory_space<semaphore_mem>>) src(%dma_wait3A_471 : memref<40xi32, #tpu.memory_space<hbm>>) dst(%arg7 : memref<40xi32, #tpu.memory_space<vmem>>)
      tpu.yield
    }) : () -> ()
    %dma_start3A = arith.constant 0 : i32
    %dma_start3A_7 = arith.constant 0 : i32
    %dma_start3A_8 = tpu.memref_slice %arg3[%dma_start3A, %dma_start3A_7] : memref<100000x32xi32, #tpu.memory_space<hbm>> -> memref<100000x32xi32, #tpu.memory_space<hbm>>
    tpu.enqueue_indirect_dma source(%dma_start3A_8 : memref<100000x32xi32, #tpu.memory_space<hbm>>) target(%arg8 : memref<40x32xi32, #tpu.memory_space<vmem>>) offsets(%arg7 : memref<40xi32, #tpu.memory_space<vmem>>) semaphore(%arg12 : memref<!tpu.dma_semaphore, #tpu.memory_space<semaphore_mem>>)
    %dma_wait3A = arith.constant 0 : i32
    %dma_wait3A_9 = arith.constant 0 : i32
    %dma_wait3A_10 = tpu.memref_slice %arg3[%dma_wait3A, %dma_wait3A_9] : memref<100000x32xi32, #tpu.memory_space<hbm>> -> memref<100000x32xi32, #tpu.memory_space<hbm>>
    tpu.wait_indirect_dma semaphore(%arg12 : memref<!tpu.dma_semaphore, #tpu.memory_space<semaphore_mem>>) src(%dma_wait3A_10 : memref<100000x32xi32, #tpu.memory_space<hbm>>) dst(%arg8 : memref<40x32xi32, #tpu.memory_space<vmem>>)
    %scan3A = arith.constant 0 : i32
    %scan3A_11 = arith.constant 0 : i32
    %scan3A_12 = arith.constant 80 : i32
    %scan3A_13 = arith.addi %scan3A_11, %scan3A_12 : i32
    %scan3A_14 = arith.constant 1 : i32
    scf.for %scan3A_468 = %scan3A_11 to %scan3A_13 step %scan3A_14  : i32 {
      %shift_right_arithmetic3A = arith.constant 1 : i32
      %shift_right_arithmetic3A_469 = arith.shrsi %scan3A_468, %shift_right_arithmetic3A : i32
      %and3A = arith.constant 1 : i32
      %and3A_470 = arith.andi %scan3A_468, %and3A : i32
      %shift_left3A = arith.constant 4 : i32
      %shift_left3A_471 = arith.shli %and3A_470, %shift_left3A : i32
      %get3A = arith.index_cast %shift_right_arithmetic3A_469 : i32 to index
      %get3A_472 = arith.index_cast %shift_left3A_471 : i32 to index
      %get3A_473 = tpu.vector_load %arg8[%get3A, %get3A_472] {strides = array<i32>} : memref<40x32xi32, #tpu.memory_space<vmem>>, vector<1x16xi32>,
      %get3A_474 = vector.shape_cast %get3A_473 : vector<1x16xi32> to vector<16xi32>
      %shift_right_arithmetic3A_475 = arith.constant 3 : i32
      %shift_right_arithmetic3A_476 = arith.shrsi %scan3A_468, %shift_right_arithmetic3A_475 : i32
      %and3A_477 = arith.constant 7 : i32
      %and3A_478 = arith.andi %scan3A_468, %and3A_477 : i32
      %shift_left3A_479 = arith.constant 4 : i32
      %shift_left3A_480 = arith.shli %and3A_478, %shift_left3A_479 : i32
      %swap3A = arith.index_cast %shift_right_arithmetic3A_476 : i32 to index
      %swap3A_481 = arith.index_cast %shift_left3A_480 : i32 to index
      %swap3A_482 = tpu.vector_load %arg9[%swap3A, %swap3A_481] {strides = array<i32>} : memref<10x128xi32, #tpu.memory_space<vmem>>, vector<1x16xi32>,
      %swap3A_483 = vector.shape_cast %swap3A_482 : vector<1x16xi32> to vector<16xi32>
      %swap3A_484 = vector.shape_cast %get3A_474 : vector<16xi32> to vector<1x16xi32>
      tpu.vector_store %arg9[%swap3A, %swap3A_481], %swap3A_484 {strides = array<i32>} : memref<10x128xi32, #tpu.memory_space<vmem>>, vector<1x16xi32>,
    }
    %scan3A_15 = arith.constant 80 : i32
    %dma_start3A_16 = arith.constant 0 : i32
    %dma_start3A_17 = arith.constant 0 : i32
    %dma_start3A_18 = arith.constant 0 : i32
    %dma_start3A_19 = tpu.memref_slice %arg10[%dma_start3A_17, %dma_start3A_18] : memref<1280x32xf32, #tpu.memory_space<vmem>> -> memref<128x32xf32, #tpu.memory_space<vmem>>
    %dma_start3A_20 = arith.constant 0 : i32
    %dma_start3A_21 = tpu.memref_slice %arg9[%dma_start3A_16, %dma_start3A_20] : memref<10x128xi32, #tpu.memory_space<vmem>> -> memref<1x128xi32, #tpu.memory_space<vmem>>
    %dma_start3A_22 = tpu.memref_squeeze %dma_start3A_21 : memref<1x128xi32, #tpu.memory_space<vmem>> -> memref<128xi32, #tpu.memory_space<vmem>>
    %dma_start3A_23 = arith.constant 0 : i32
    %dma_start3A_24 = arith.constant 0 : i32
    %dma_start3A_25 = tpu.memref_slice %arg6[%dma_start3A_23, %dma_start3A_24] : memref<513x32xf32, #tpu.memory_space<vmem_shared>> -> memref<513x32xf32, #tpu.memory_space<vmem_shared>>
    tpu.enqueue_indirect_dma source(%dma_start3A_25 : memref<513x32xf32, #tpu.memory_space<vmem_shared>>) target(%dma_start3A_19 : memref<128x32xf32, #tpu.memory_space<vmem>>) offsets(%dma_start3A_22 : memref<128xi32, #tpu.memory_space<vmem>>) semaphore(%arg13 : memref<!tpu.dma_semaphore, #tpu.memory_space<semaphore_mem>>)
    %dma_start3A_26 = arith.constant 1 : i32
    %dma_start3A_27 = arith.constant 128 : i32
    %dma_start3A_28 = arith.constant 0 : i32
    %dma_start3A_29 = tpu.memref_slice %arg10[%dma_start3A_27, %dma_start3A_28] : memref<1280x32xf32, #tpu.memory_space<vmem>> -> memref<128x32xf32, #tpu.memory_space<vmem>>
    %dma_start3A_30 = arith.constant 0 : i32
    %dma_start3A_31 = tpu.memref_slice %arg9[%dma_start3A_26, %dma_start3A_30] : memref<10x128xi32, #tpu.memory_space<vmem>> -> memref<1x128xi32, #tpu.memory_space<vmem>>
    %dma_start3A_32 = tpu.memref_squeeze %dma_start3A_31 : memref<1x128xi32, #tpu.memory_space<vmem>> -> memref<128xi32, #tpu.memory_space<vmem>>
    %dma_start3A_33 = arith.constant 0 : i32
    %dma_start3A_34 = arith.constant 0 : i32
    %dma_start3A_35 = tpu.memref_slice %arg6[%dma_start3A_33, %dma_start3A_34] : memref<513x32xf32, #tpu.memory_space<vmem_shared>> -> memref<513x32xf32, #tpu.memory_space<vmem_shared>>
    tpu.enqueue_indirect_dma source(%dma_start3A_35 : memref<513x32xf32, #tpu.memory_space<vmem_shared>>) target(%dma_start3A_29 : memref<128x32xf32, #tpu.memory_space<vmem>>) offsets(%dma_start3A_32 : memref<128xi32, #tpu.memory_space<vmem>>) semaphore(%arg13 : memref<!tpu.dma_semaphore, #tpu.memory_space<semaphore_mem>>)
    %dma_start3A_36 = arith.constant 2 : i32
    %dma_start3A_37 = arith.constant 256 : i32
    %dma_start3A_38 = arith.constant 0 : i32
    %dma_start3A_39 = tpu.memref_slice %arg10[%dma_start3A_37, %dma_start3A_38] : memref<1280x32xf32, #tpu.memory_space<vmem>> -> memref<128x32xf32, #tpu.memory_space<vmem>>
    %dma_start3A_40 = arith.constant 0 : i32
    %dma_start3A_41 = tpu.memref_slice %arg9[%dma_start3A_36, %dma_start3A_40] : memref<10x128xi32, #tpu.memory_space<vmem>> -> memref<1x128xi32, #tpu.memory_space<vmem>>
    %dma_start3A_42 = tpu.memref_squeeze %dma_start3A_41 : memref<1x128xi32, #tpu.memory_space<vmem>> -> memref<128xi32, #tpu.memory_space<vmem>>
    %dma_start3A_43 = arith.constant 0 : i32
    %dma_start3A_44 = arith.constant 0 : i32
    %dma_start3A_45 = tpu.memref_slice %arg6[%dma_start3A_43, %dma_start3A_44] : memref<513x32xf32, #tpu.memory_space<vmem_shared>> -> memref<513x32xf32, #tpu.memory_space<vmem_shared>>
    tpu.enqueue_indirect_dma source(%dma_start3A_45 : memref<513x32xf32, #tpu.memory_space<vmem_shared>>) target(%dma_start3A_39 : memref<128x32xf32, #tpu.memory_space<vmem>>) offsets(%dma_start3A_42 : memref<128xi32, #tpu.memory_space<vmem>>) semaphore(%arg13 : memref<!tpu.dma_semaphore, #tpu.memory_space<semaphore_mem>>)
    %dma_start3A_46 = arith.constant 3 : i32
    %dma_start3A_47 = arith.constant 384 : i32
    %dma_start3A_48 = arith.constant 0 : i32
    %dma_start3A_49 = tpu.memref_slice %arg10[%dma_start3A_47, %dma_start3A_48] : memref<1280x32xf32, #tpu.memory_space<vmem>> -> memref<128x32xf32, #tpu.memory_space<vmem>>
    %dma_start3A_50 = arith.constant 0 : i32
    %dma_start3A_51 = tpu.memref_slice %arg9[%dma_start3A_46, %dma_start3A_50] : memref<10x128xi32, #tpu.memory_space<vmem>> -> memref<1x128xi32, #tpu.memory_space<vmem>>
    %dma_start3A_52 = tpu.memref_squeeze %dma_start3A_51 : memref<1x128xi32, #tpu.memory_space<vmem>> -> memref<128xi32, #tpu.memory_space<vmem>>
    %dma_start3A_53 = arith.constant 0 : i32
    %dma_start3A_54 = arith.constant 0 : i32
    %dma_start3A_55 = tpu.memref_slice %arg6[%dma_start3A_53, %dma_start3A_54] : memref<513x32xf32, #tpu.memory_space<vmem_shared>> -> memref<513x32xf32, #tpu.memory_space<vmem_shared>>
    tpu.enqueue_indirect_dma source(%dma_start3A_55 : memref<513x32xf32, #tpu.memory_space<vmem_shared>>) target(%dma_start3A_49 : memref<128x32xf32, #tpu.memory_space<vmem>>) offsets(%dma_start3A_52 : memref<128xi32, #tpu.memory_space<vmem>>) semaphore(%arg13 : memref<!tpu.dma_semaphore, #tpu.memory_space<semaphore_mem>>)
    %dma_start3A_56 = arith.constant 4 : i32
    %dma_start3A_57 = arith.constant 512 : i32
    %dma_start3A_58 = arith.constant 0 : i32
    %dma_start3A_59 = tpu.memref_slice %arg10[%dma_start3A_57, %dma_start3A_58] : memref<1280x32xf32, #tpu.memory_space<vmem>> -> memref<128x32xf32, #tpu.memory_space<vmem>>
    %dma_start3A_60 = arith.constant 0 : i32
    %dma_start3A_61 = tpu.memref_slice %arg9[%dma_start3A_56, %dma_start3A_60] : memref<10x128xi32, #tpu.memory_space<vmem>> -> memref<1x128xi32, #tpu.memory_space<vmem>>
    %dma_start3A_62 = tpu.memref_squeeze %dma_start3A_61 : memref<1x128xi32, #tpu.memory_space<vmem>> -> memref<128xi32, #tpu.memory_space<vmem>>
    %dma_start3A_63 = arith.constant 0 : i32
    %dma_start3A_64 = arith.constant 0 : i32
    %dma_start3A_65 = tpu.memref_slice %arg6[%dma_start3A_63, %dma_start3A_64] : memref<513x32xf32, #tpu.memory_space<vmem_shared>> -> memref<513x32xf32, #tpu.memory_space<vmem_shared>>
    tpu.enqueue_indirect_dma source(%dma_start3A_65 : memref<513x32xf32, #tpu.memory_space<vmem_shared>>) target(%dma_start3A_59 : memref<128x32xf32, #tpu.memory_space<vmem>>) offsets(%dma_start3A_62 : memref<128xi32, #tpu.memory_space<vmem>>) semaphore(%arg13 : memref<!tpu.dma_semaphore, #tpu.memory_space<semaphore_mem>>)
    %dma_start3A_66 = arith.constant 5 : i32
    %dma_start3A_67 = arith.constant 640 : i32
    %dma_start3A_68 = arith.constant 0 : i32
    %dma_start3A_69 = tpu.memref_slice %arg10[%dma_start3A_67, %dma_start3A_68] : memref<1280x32xf32, #tpu.memory_space<vmem>> -> memref<128x32xf32, #tpu.memory_space<vmem>>
    %dma_start3A_70 = arith.constant 0 : i32
    %dma_start3A_71 = tpu.memref_slice %arg9[%dma_start3A_66, %dma_start3A_70] : memref<10x128xi32, #tpu.memory_space<vmem>> -> memref<1x128xi32, #tpu.memory_space<vmem>>
    %dma_start3A_72 = tpu.memref_squeeze %dma_start3A_71 : memref<1x128xi32, #tpu.memory_space<vmem>> -> memref<128xi32, #tpu.memory_space<vmem>>
    %dma_start3A_73 = arith.constant 0 : i32
    %dma_start3A_74 = arith.constant 0 : i32
    %dma_start3A_75 = tpu.memref_slice %arg6[%dma_start3A_73, %dma_start3A_74] : memref<513x32xf32, #tpu.memory_space<vmem_shared>> -> memref<513x32xf32, #tpu.memory_space<vmem_shared>>
    tpu.enqueue_indirect_dma source(%dma_start3A_75 : memref<513x32xf32, #tpu.memory_space<vmem_shared>>) target(%dma_start3A_69 : memref<128x32xf32, #tpu.memory_space<vmem>>) offsets(%dma_start3A_72 : memref<128xi32, #tpu.memory_space<vmem>>) semaphore(%arg13 : memref<!tpu.dma_semaphore, #tpu.memory_space<semaphore_mem>>)
    %dma_start3A_76 = arith.constant 6 : i32
    %dma_start3A_77 = arith.constant 768 : i32
    %dma_start3A_78 = arith.constant 0 : i32
    %dma_start3A_79 = tpu.memref_slice %arg10[%dma_start3A_77, %dma_start3A_78] : memref<1280x32xf32, #tpu.memory_space<vmem>> -> memref<128x32xf32, #tpu.memory_space<vmem>>
    %dma_start3A_80 = arith.constant 0 : i32
    %dma_start3A_81 = tpu.memref_slice %arg9[%dma_start3A_76, %dma_start3A_80] : memref<10x128xi32, #tpu.memory_space<vmem>> -> memref<1x128xi32, #tpu.memory_space<vmem>>
    %dma_start3A_82 = tpu.memref_squeeze %dma_start3A_81 : memref<1x128xi32, #tpu.memory_space<vmem>> -> memref<128xi32, #tpu.memory_space<vmem>>
    %dma_start3A_83 = arith.constant 0 : i32
    %dma_start3A_84 = arith.constant 0 : i32
    %dma_start3A_85 = tpu.memref_slice %arg6[%dma_start3A_83, %dma_start3A_84] : memref<513x32xf32, #tpu.memory_space<vmem_shared>> -> memref<513x32xf32, #tpu.memory_space<vmem_shared>>
    tpu.enqueue_indirect_dma source(%dma_start3A_85 : memref<513x32xf32, #tpu.memory_space<vmem_shared>>) target(%dma_start3A_79 : memref<128x32xf32, #tpu.memory_space<vmem>>) offsets(%dma_start3A_82 : memref<128xi32, #tpu.memory_space<vmem>>) semaphore(%arg13 : memref<!tpu.dma_semaphore, #tpu.memory_space<semaphore_mem>>)
    %dma_start3A_86 = arith.constant 7 : i32
    %dma_start3A_87 = arith.constant 896 : i32
    %dma_start3A_88 = arith.constant 0 : i32
    %dma_start3A_89 = tpu.memref_slice %arg10[%dma_start3A_87, %dma_start3A_88] : memref<1280x32xf32, #tpu.memory_space<vmem>> -> memref<128x32xf32, #tpu.memory_space<vmem>>
    %dma_start3A_90 = arith.constant 0 : i32
    %dma_start3A_91 = tpu.memref_slice %arg9[%dma_start3A_86, %dma_start3A_90] : memref<10x128xi32, #tpu.memory_space<vmem>> -> memref<1x128xi32, #tpu.memory_space<vmem>>
    %dma_start3A_92 = tpu.memref_squeeze %dma_start3A_91 : memref<1x128xi32, #tpu.memory_space<vmem>> -> memref<128xi32, #tpu.memory_space<vmem>>
    %dma_start3A_93 = arith.constant 0 : i32
    %dma_start3A_94 = arith.constant 0 : i32
    %dma_start3A_95 = tpu.memref_slice %arg6[%dma_start3A_93, %dma_start3A_94] : memref<513x32xf32, #tpu.memory_space<vmem_shared>> -> memref<513x32xf32, #tpu.memory_space<vmem_shared>>
    tpu.enqueue_indirect_dma source(%dma_start3A_95 : memref<513x32xf32, #tpu.memory_space<vmem_shared>>) target(%dma_start3A_89 : memref<128x32xf32, #tpu.memory_space<vmem>>) offsets(%dma_start3A_92 : memref<128xi32, #tpu.memory_space<vmem>>) semaphore(%arg13 : memref<!tpu.dma_semaphore, #tpu.memory_space<semaphore_mem>>)
    %dma_start3A_96 = arith.constant 8 : i32
    %dma_start3A_97 = arith.constant 1024 : i32
    %dma_start3A_98 = arith.constant 0 : i32
    %dma_start3A_99 = tpu.memref_slice %arg10[%dma_start3A_97, %dma_start3A_98] : memref<1280x32xf32, #tpu.memory_space<vmem>> -> memref<128x32xf32, #tpu.memory_space<vmem>>
    %dma_start3A_100 = arith.constant 0 : i32
    %dma_start3A_101 = tpu.memref_slice %arg9[%dma_start3A_96, %dma_start3A_100] : memref<10x128xi32, #tpu.memory_space<vmem>> -> memref<1x128xi32, #tpu.memory_space<vmem>>
    %dma_start3A_102 = tpu.memref_squeeze %dma_start3A_101 : memref<1x128xi32, #tpu.memory_space<vmem>> -> memref<128xi32, #tpu.memory_space<vmem>>
    %dma_start3A_103 = arith.constant 0 : i32
    %dma_start3A_104 = arith.constant 0 : i32
    %dma_start3A_105 = tpu.memref_slice %arg6[%dma_start3A_103, %dma_start3A_104] : memref<513x32xf32, #tpu.memory_space<vmem_shared>> -> memref<513x32xf32, #tpu.memory_space<vmem_shared>>
    tpu.enqueue_indirect_dma source(%dma_start3A_105 : memref<513x32xf32, #tpu.memory_space<vmem_shared>>) target(%dma_start3A_99 : memref<128x32xf32, #tpu.memory_space<vmem>>) offsets(%dma_start3A_102 : memref<128xi32, #tpu.memory_space<vmem>>) semaphore(%arg13 : memref<!tpu.dma_semaphore, #tpu.memory_space<semaphore_mem>>)
    %dma_start3A_106 = arith.constant 9 : i32
    %dma_start3A_107 = arith.constant 1152 : i32
    %dma_start3A_108 = arith.constant 0 : i32
    %dma_start3A_109 = tpu.memref_slice %arg10[%dma_start3A_107, %dma_start3A_108] : memref<1280x32xf32, #tpu.memory_space<vmem>> -> memref<128x32xf32, #tpu.memory_space<vmem>>
    %dma_start3A_110 = arith.constant 0 : i32
    %dma_start3A_111 = tpu.memref_slice %arg9[%dma_start3A_106, %dma_start3A_110] : memref<10x128xi32, #tpu.memory_space<vmem>> -> memref<1x128xi32, #tpu.memory_space<vmem>>
    %dma_start3A_112 = tpu.memref_squeeze %dma_start3A_111 : memref<1x128xi32, #tpu.memory_space<vmem>> -> memref<128xi32, #tpu.memory_space<vmem>>
    %dma_start3A_113 = arith.constant 0 : i32
    %dma_start3A_114 = arith.constant 0 : i32
    %dma_start3A_115 = tpu.memref_slice %arg6[%dma_start3A_113, %dma_start3A_114] : memref<513x32xf32, #tpu.memory_space<vmem_shared>> -> memref<513x32xf32, #tpu.memory_space<vmem_shared>>
    tpu.enqueue_indirect_dma source(%dma_start3A_115 : memref<513x32xf32, #tpu.memory_space<vmem_shared>>) target(%dma_start3A_109 : memref<128x32xf32, #tpu.memory_space<vmem>>) offsets(%dma_start3A_112 : memref<128xi32, #tpu.memory_space<vmem>>) semaphore(%arg13 : memref<!tpu.dma_semaphore, #tpu.memory_space<semaphore_mem>>)
    %dma_wait3A_116 = arith.constant 0 : i32
    %dma_wait3A_117 = arith.constant 0 : i32
    %dma_wait3A_118 = arith.constant 0 : i32
    %dma_wait3A_119 = tpu.memref_slice %arg10[%dma_wait3A_117, %dma_wait3A_118] : memref<1280x32xf32, #tpu.memory_space<vmem>> -> memref<128x32xf32, #tpu.memory_space<vmem>>
    %dma_wait3A_120 = arith.constant 0 : i32
    %dma_wait3A_121 = tpu.memref_slice %arg9[%dma_wait3A_116, %dma_wait3A_120] : memref<10x128xi32, #tpu.memory_space<vmem>> -> memref<1x128xi32, #tpu.memory_space<vmem>>
    %dma_wait3A_122 = tpu.memref_squeeze %dma_wait3A_121 : memref<1x128xi32, #tpu.memory_space<vmem>> -> memref<128xi32, #tpu.memory_space<vmem>>
    %dma_wait3A_123 = arith.constant 0 : i32
    %dma_wait3A_124 = arith.constant 0 : i32
    %dma_wait3A_125 = tpu.memref_slice %arg6[%dma_wait3A_123, %dma_wait3A_124] : memref<513x32xf32, #tpu.memory_space<vmem_shared>> -> memref<513x32xf32, #tpu.memory_space<vmem_shared>>
    tpu.wait_indirect_dma semaphore(%arg13 : memref<!tpu.dma_semaphore, #tpu.memory_space<semaphore_mem>>) src(%dma_wait3A_125 : memref<513x32xf32, #tpu.memory_space<vmem_shared>>) dst(%dma_wait3A_119 : memref<128x32xf32, #tpu.memory_space<vmem>>)
    %dma_wait3A_126 = arith.constant 1 : i32
    %dma_wait3A_127 = arith.constant 128 : i32
    %dma_wait3A_128 = arith.constant 0 : i32
    %dma_wait3A_129 = tpu.memref_slice %arg10[%dma_wait3A_127, %dma_wait3A_128] : memref<1280x32xf32, #tpu.memory_space<vmem>> -> memref<128x32xf32, #tpu.memory_space<vmem>>
    %dma_wait3A_130 = arith.constant 0 : i32
    %dma_wait3A_131 = tpu.memref_slice %arg9[%dma_wait3A_126, %dma_wait3A_130] : memref<10x128xi32, #tpu.memory_space<vmem>> -> memref<1x128xi32, #tpu.memory_space<vmem>>
    %dma_wait3A_132 = tpu.memref_squeeze %dma_wait3A_131 : memref<1x128xi32, #tpu.memory_space<vmem>> -> memref<128xi32, #tpu.memory_space<vmem>>
    %dma_wait3A_133 = arith.constant 0 : i32
    %dma_wait3A_134 = arith.constant 0 : i32
    %dma_wait3A_135 = tpu.memref_slice %arg6[%dma_wait3A_133, %dma_wait3A_134] : memref<513x32xf32, #tpu.memory_space<vmem_shared>> -> memref<513x32xf32, #tpu.memory_space<vmem_shared>>
    tpu.wait_indirect_dma semaphore(%arg13 : memref<!tpu.dma_semaphore, #tpu.memory_space<semaphore_mem>>) src(%dma_wait3A_135 : memref<513x32xf32, #tpu.memory_space<vmem_shared>>) dst(%dma_wait3A_129 : memref<128x32xf32, #tpu.memory_space<vmem>>)
    %dma_wait3A_136 = arith.constant 2 : i32
    %dma_wait3A_137 = arith.constant 256 : i32
    %dma_wait3A_138 = arith.constant 0 : i32
    %dma_wait3A_139 = tpu.memref_slice %arg10[%dma_wait3A_137, %dma_wait3A_138] : memref<1280x32xf32, #tpu.memory_space<vmem>> -> memref<128x32xf32, #tpu.memory_space<vmem>>
    %dma_wait3A_140 = arith.constant 0 : i32
    %dma_wait3A_141 = tpu.memref_slice %arg9[%dma_wait3A_136, %dma_wait3A_140] : memref<10x128xi32, #tpu.memory_space<vmem>> -> memref<1x128xi32, #tpu.memory_space<vmem>>
    %dma_wait3A_142 = tpu.memref_squeeze %dma_wait3A_141 : memref<1x128xi32, #tpu.memory_space<vmem>> -> memref<128xi32, #tpu.memory_space<vmem>>
    %dma_wait3A_143 = arith.constant 0 : i32
    %dma_wait3A_144 = arith.constant 0 : i32
    %dma_wait3A_145 = tpu.memref_slice %arg6[%dma_wait3A_143, %dma_wait3A_144] : memref<513x32xf32, #tpu.memory_space<vmem_shared>> -> memref<513x32xf32, #tpu.memory_space<vmem_shared>>
    tpu.wait_indirect_dma semaphore(%arg13 : memref<!tpu.dma_semaphore, #tpu.memory_space<semaphore_mem>>) src(%dma_wait3A_145 : memref<513x32xf32, #tpu.memory_space<vmem_shared>>) dst(%dma_wait3A_139 : memref<128x32xf32, #tpu.memory_space<vmem>>)
    %dma_wait3A_146 = arith.constant 3 : i32
    %dma_wait3A_147 = arith.constant 384 : i32
    %dma_wait3A_148 = arith.constant 0 : i32
    %dma_wait3A_149 = tpu.memref_slice %arg10[%dma_wait3A_147, %dma_wait3A_148] : memref<1280x32xf32, #tpu.memory_space<vmem>> -> memref<128x32xf32, #tpu.memory_space<vmem>>
    %dma_wait3A_150 = arith.constant 0 : i32
    %dma_wait3A_151 = tpu.memref_slice %arg9[%dma_wait3A_146, %dma_wait3A_150] : memref<10x128xi32, #tpu.memory_space<vmem>> -> memref<1x128xi32, #tpu.memory_space<vmem>>
    %dma_wait3A_152 = tpu.memref_squeeze %dma_wait3A_151 : memref<1x128xi32, #tpu.memory_space<vmem>> -> memref<128xi32, #tpu.memory_space<vmem>>
    %dma_wait3A_153 = arith.constant 0 : i32
    %dma_wait3A_154 = arith.constant 0 : i32
    %dma_wait3A_155 = tpu.memref_slice %arg6[%dma_wait3A_153, %dma_wait3A_154] : memref<513x32xf32, #tpu.memory_space<vmem_shared>> -> memref<513x32xf32, #tpu.memory_space<vmem_shared>>
    tpu.wait_indirect_dma semaphore(%arg13 : memref<!tpu.dma_semaphore, #tpu.memory_space<semaphore_mem>>) src(%dma_wait3A_155 : memref<513x32xf32, #tpu.memory_space<vmem_shared>>) dst(%dma_wait3A_149 : memref<128x32xf32, #tpu.memory_space<vmem>>)
    %dma_wait3A_156 = arith.constant 4 : i32
    %dma_wait3A_157 = arith.constant 512 : i32
    %dma_wait3A_158 = arith.constant 0 : i32
    %dma_wait3A_159 = tpu.memref_slice %arg10[%dma_wait3A_157, %dma_wait3A_158] : memref<1280x32xf32, #tpu.memory_space<vmem>> -> memref<128x32xf32, #tpu.memory_space<vmem>>
    %dma_wait3A_160 = arith.constant 0 : i32
    %dma_wait3A_161 = tpu.memref_slice %arg9[%dma_wait3A_156, %dma_wait3A_160] : memref<10x128xi32, #tpu.memory_space<vmem>> -> memref<1x128xi32, #tpu.memory_space<vmem>>
    %dma_wait3A_162 = tpu.memref_squeeze %dma_wait3A_161 : memref<1x128xi32, #tpu.memory_space<vmem>> -> memref<128xi32, #tpu.memory_space<vmem>>
    %dma_wait3A_163 = arith.constant 0 : i32
    %dma_wait3A_164 = arith.constant 0 : i32
    %dma_wait3A_165 = tpu.memref_slice %arg6[%dma_wait3A_163, %dma_wait3A_164] : memref<513x32xf32, #tpu.memory_space<vmem_shared>> -> memref<513x32xf32, #tpu.memory_space<vmem_shared>>
    tpu.wait_indirect_dma semaphore(%arg13 : memref<!tpu.dma_semaphore, #tpu.memory_space<semaphore_mem>>) src(%dma_wait3A_165 : memref<513x32xf32, #tpu.memory_space<vmem_shared>>) dst(%dma_wait3A_159 : memref<128x32xf32, #tpu.memory_space<vmem>>)
    %dma_wait3A_166 = arith.constant 5 : i32
    %dma_wait3A_167 = arith.constant 640 : i32
    %dma_wait3A_168 = arith.constant 0 : i32
    %dma_wait3A_169 = tpu.memref_slice %arg10[%dma_wait3A_167, %dma_wait3A_168] : memref<1280x32xf32, #tpu.memory_space<vmem>> -> memref<128x32xf32, #tpu.memory_space<vmem>>
    %dma_wait3A_170 = arith.constant 0 : i32
    %dma_wait3A_171 = tpu.memref_slice %arg9[%dma_wait3A_166, %dma_wait3A_170] : memref<10x128xi32, #tpu.memory_space<vmem>> -> memref<1x128xi32, #tpu.memory_space<vmem>>
    %dma_wait3A_172 = tpu.memref_squeeze %dma_wait3A_171 : memref<1x128xi32, #tpu.memory_space<vmem>> -> memref<128xi32, #tpu.memory_space<vmem>>
    %dma_wait3A_173 = arith.constant 0 : i32
    %dma_wait3A_174 = arith.constant 0 : i32
    %dma_wait3A_175 = tpu.memref_slice %arg6[%dma_wait3A_173, %dma_wait3A_174] : memref<513x32xf32, #tpu.memory_space<vmem_shared>> -> memref<513x32xf32, #tpu.memory_space<vmem_shared>>
    tpu.wait_indirect_dma semaphore(%arg13 : memref<!tpu.dma_semaphore, #tpu.memory_space<semaphore_mem>>) src(%dma_wait3A_175 : memref<513x32xf32, #tpu.memory_space<vmem_shared>>) dst(%dma_wait3A_169 : memref<128x32xf32, #tpu.memory_space<vmem>>)
    %dma_wait3A_176 = arith.constant 6 : i32
    %dma_wait3A_177 = arith.constant 768 : i32
    %dma_wait3A_178 = arith.constant 0 : i32
    %dma_wait3A_179 = tpu.memref_slice %arg10[%dma_wait3A_177, %dma_wait3A_178] : memref<1280x32xf32, #tpu.memory_space<vmem>> -> memref<128x32xf32, #tpu.memory_space<vmem>>
    %dma_wait3A_180 = arith.constant 0 : i32
    %dma_wait3A_181 = tpu.memref_slice %arg9[%dma_wait3A_176, %dma_wait3A_180] : memref<10x128xi32, #tpu.memory_space<vmem>> -> memref<1x128xi32, #tpu.memory_space<vmem>>
    %dma_wait3A_182 = tpu.memref_squeeze %dma_wait3A_181 : memref<1x128xi32, #tpu.memory_space<vmem>> -> memref<128xi32, #tpu.memory_space<vmem>>
    %dma_wait3A_183 = arith.constant 0 : i32
    %dma_wait3A_184 = arith.constant 0 : i32
    %dma_wait3A_185 = tpu.memref_slice %arg6[%dma_wait3A_183, %dma_wait3A_184] : memref<513x32xf32, #tpu.memory_space<vmem_shared>> -> memref<513x32xf32, #tpu.memory_space<vmem_shared>>
    tpu.wait_indirect_dma semaphore(%arg13 : memref<!tpu.dma_semaphore, #tpu.memory_space<semaphore_mem>>) src(%dma_wait3A_185 : memref<513x32xf32, #tpu.memory_space<vmem_shared>>) dst(%dma_wait3A_179 : memref<128x32xf32, #tpu.memory_space<vmem>>)
    %dma_wait3A_186 = arith.constant 7 : i32
    %dma_wait3A_187 = arith.constant 896 : i32
    %dma_wait3A_188 = arith.constant 0 : i32
    %dma_wait3A_189 = tpu.memref_slice %arg10[%dma_wait3A_187, %dma_wait3A_188] : memref<1280x32xf32, #tpu.memory_space<vmem>> -> memref<128x32xf32, #tpu.memory_space<vmem>>
    %dma_wait3A_190 = arith.constant 0 : i32
    %dma_wait3A_191 = tpu.memref_slice %arg9[%dma_wait3A_186, %dma_wait3A_190] : memref<10x128xi32, #tpu.memory_space<vmem>> -> memref<1x128xi32, #tpu.memory_space<vmem>>
    %dma_wait3A_192 = tpu.memref_squeeze %dma_wait3A_191 : memref<1x128xi32, #tpu.memory_space<vmem>> -> memref<128xi32, #tpu.memory_space<vmem>>
    %dma_wait3A_193 = arith.constant 0 : i32
    %dma_wait3A_194 = arith.constant 0 : i32
    %dma_wait3A_195 = tpu.memref_slice %arg6[%dma_wait3A_193, %dma_wait3A_194] : memref<513x32xf32, #tpu.memory_space<vmem_shared>> -> memref<513x32xf32, #tpu.memory_space<vmem_shared>>
    tpu.wait_indirect_dma semaphore(%arg13 : memref<!tpu.dma_semaphore, #tpu.memory_space<semaphore_mem>>) src(%dma_wait3A_195 : memref<513x32xf32, #tpu.memory_space<vmem_shared>>) dst(%dma_wait3A_189 : memref<128x32xf32, #tpu.memory_space<vmem>>)
    %dma_wait3A_196 = arith.constant 8 : i32
    %dma_wait3A_197 = arith.constant 1024 : i32
    %dma_wait3A_198 = arith.constant 0 : i32
    %dma_wait3A_199 = tpu.memref_slice %arg10[%dma_wait3A_197, %dma_wait3A_198] : memref<1280x32xf32, #tpu.memory_space<vmem>> -> memref<128x32xf32, #tpu.memory_space<vmem>>
    %dma_wait3A_200 = arith.constant 0 : i32
    %dma_wait3A_201 = tpu.memref_slice %arg9[%dma_wait3A_196, %dma_wait3A_200] : memref<10x128xi32, #tpu.memory_space<vmem>> -> memref<1x128xi32, #tpu.memory_space<vmem>>
    %dma_wait3A_202 = tpu.memref_squeeze %dma_wait3A_201 : memref<1x128xi32, #tpu.memory_space<vmem>> -> memref<128xi32, #tpu.memory_space<vmem>>
    %dma_wait3A_203 = arith.constant 0 : i32
    %dma_wait3A_204 = arith.constant 0 : i32
    %dma_wait3A_205 = tpu.memref_slice %arg6[%dma_wait3A_203, %dma_wait3A_204] : memref<513x32xf32, #tpu.memory_space<vmem_shared>> -> memref<513x32xf32, #tpu.memory_space<vmem_shared>>
    tpu.wait_indirect_dma semaphore(%arg13 : memref<!tpu.dma_semaphore, #tpu.memory_space<semaphore_mem>>) src(%dma_wait3A_205 : memref<513x32xf32, #tpu.memory_space<vmem_shared>>) dst(%dma_wait3A_199 : memref<128x32xf32, #tpu.memory_space<vmem>>)
    %dma_wait3A_206 = arith.constant 9 : i32
    %dma_wait3A_207 = arith.constant 1152 : i32
    %dma_wait3A_208 = arith.constant 0 : i32
    %dma_wait3A_209 = tpu.memref_slice %arg10[%dma_wait3A_207, %dma_wait3A_208] : memref<1280x32xf32, #tpu.memory_space<vmem>> -> memref<128x32xf32, #tpu.memory_space<vmem>>
    %dma_wait3A_210 = arith.constant 0 : i32
    %dma_wait3A_211 = tpu.memref_slice %arg9[%dma_wait3A_206, %dma_wait3A_210] : memref<10x128xi32, #tpu.memory_space<vmem>> -> memref<1x128xi32, #tpu.memory_space<vmem>>
    %dma_wait3A_212 = tpu.memref_squeeze %dma_wait3A_211 : memref<1x128xi32, #tpu.memory_space<vmem>> -> memref<128xi32, #tpu.memory_space<vmem>>
    %dma_wait3A_213 = arith.constant 0 : i32
    %dma_wait3A_214 = arith.constant 0 : i32
    %dma_wait3A_215 = tpu.memref_slice %arg6[%dma_wait3A_213, %dma_wait3A_214] : memref<513x32xf32, #tpu.memory_space<vmem_shared>> -> memref<513x32xf32, #tpu.memory_space<vmem_shared>>
    tpu.wait_indirect_dma semaphore(%arg13 : memref<!tpu.dma_semaphore, #tpu.memory_space<semaphore_mem>>) src(%dma_wait3A_215 : memref<513x32xf32, #tpu.memory_space<vmem_shared>>) dst(%dma_wait3A_209 : memref<128x32xf32, #tpu.memory_space<vmem>>)
    %add3A_216 = arith.constant 0 : i32
    %add3A_217 = arith.addi %mul3A_2, %add3A_216 : i32
    %mul3A_218 = arith.constant 32 : i32
    %mul3A_219 = arith.muli %add3A_217, %mul3A_218 : i32
    %dma_start3A_220 = arith.constant 0 : i32
    %dma_start3A_221 = tpu.memref_slice %arg5[%mul3A_219, %dma_start3A_220] : memref<1638400x32xf32, #tpu.memory_space<hbm>> -> memref<1280x32xf32, #tpu.memory_space<hbm>>
    %dma_start3A_222 = arith.constant 0 : i32
    %dma_start3A_223 = tpu.memref_slice %arg5[%mul3A_219, %dma_start3A_222] : memref<1638400x32xf32, #tpu.memory_space<hbm>> -> memref<1280x32xf32, #tpu.memory_space<hbm>>
    tpu.enqueue_dma source(%arg10 : memref<1280x32xf32, #tpu.memory_space<vmem>>) target(%dma_start3A_223 : memref<1280x32xf32, #tpu.memory_space<hbm>>) target_semaphore(%arg14 : memref<!tpu.dma_semaphore, #tpu.memory_space<semaphore_mem>>)
    %add3A_224 = arith.constant 40 : i32
    %add3A_225 = arith.addi %mul3A_2, %add3A_224 : i32
    "tpu.region"() ({
      %run_scoped3A = tpu.sem_alloc : memref<!tpu.dma_semaphore, #tpu.memory_space<semaphore_mem>>
      %dma_start3A_468 = tpu.memref_slice %arg2[%add3A_225] : memref<51200xi32, #tpu.memory_space<hbm>> -> memref<40xi32, #tpu.memory_space<hbm>>
      %dma_start3A_469 = tpu.memref_slice %arg2[%add3A_225] : memref<51200xi32, #tpu.memory_space<hbm>> -> memref<40xi32, #tpu.memory_space<hbm>>
      tpu.enqueue_dma source(%dma_start3A_469 : memref<40xi32, #tpu.memory_space<hbm>>) target(%arg7 : memref<40xi32, #tpu.memory_space<vmem>>) target_semaphore(%run_scoped3A : memref<!tpu.dma_semaphore, #tpu.memory_space<semaphore_mem>>)
      %dma_wait3A_470 = tpu.memref_slice %arg2[%add3A_225] : memref<51200xi32, #tpu.memory_space<hbm>> -> memref<40xi32, #tpu.memory_space<hbm>>
      %dma_wait3A_471 = tpu.memref_slice %arg2[%add3A_225] : memref<51200xi32, #tpu.memory_space<hbm>> -> memref<40xi32, #tpu.memory_space<hbm>>
      tpu.wait_dma2 semaphore(%run_scoped3A : memref<!tpu.dma_semaphore, #tpu.memory_space<semaphore_mem>>) src(%dma_wait3A_471 : memref<40xi32, #tpu.memory_space<hbm>>) dst(%arg7 : memref<40xi32, #tpu.memory_space<vmem>>)
      tpu.yield
    }) : () -> ()
    %dma_start3A_226 = arith.constant 0 : i32
    %dma_start3A_227 = arith.constant 0 : i32
    %dma_start3A_228 = tpu.memref_slice %arg3[%dma_start3A_226, %dma_start3A_227] : memref<100000x32xi32, #tpu.memory_space<hbm>> -> memref<100000x32xi32, #tpu.memory_space<hbm>>
    tpu.enqueue_indirect_dma source(%dma_start3A_228 : memref<100000x32xi32, #tpu.memory_space<hbm>>) target(%arg8 : memref<40x32xi32, #tpu.memory_space<vmem>>) offsets(%arg7 : memref<40xi32, #tpu.memory_space<vmem>>) semaphore(%arg12 : memref<!tpu.dma_semaphore, #tpu.memory_space<semaphore_mem>>)
    %dma_wait3A_229 = arith.constant 0 : i32
    %dma_wait3A_230 = arith.constant 0 : i32
    %dma_wait3A_231 = tpu.memref_slice %arg3[%dma_wait3A_229, %dma_wait3A_230] : memref<100000x32xi32, #tpu.memory_space<hbm>> -> memref<100000x32xi32, #tpu.memory_space<hbm>>
    tpu.wait_indirect_dma semaphore(%arg12 : memref<!tpu.dma_semaphore, #tpu.memory_space<semaphore_mem>>) src(%dma_wait3A_231 : memref<100000x32xi32, #tpu.memory_space<hbm>>) dst(%arg8 : memref<40x32xi32, #tpu.memory_space<vmem>>)
    %scan3A_232 = arith.constant 0 : i32
    %scan3A_233 = arith.constant 0 : i32
    %scan3A_234 = arith.constant 80 : i32
    %scan3A_235 = arith.addi %scan3A_233, %scan3A_234 : i32
    %scan3A_236 = arith.constant 1 : i32
    scf.for %scan3A_468 = %scan3A_233 to %scan3A_235 step %scan3A_236  : i32 {
      %shift_right_arithmetic3A = arith.constant 1 : i32
      %shift_right_arithmetic3A_469 = arith.shrsi %scan3A_468, %shift_right_arithmetic3A : i32
      %and3A = arith.constant 1 : i32
      %and3A_470 = arith.andi %scan3A_468, %and3A : i32
      %shift_left3A = arith.constant 4 : i32
      %shift_left3A_471 = arith.shli %and3A_470, %shift_left3A : i32
      %get3A = arith.index_cast %shift_right_arithmetic3A_469 : i32 to index
      %get3A_472 = arith.index_cast %shift_left3A_471 : i32 to index
      %get3A_473 = tpu.vector_load %arg8[%get3A, %get3A_472] {strides = array<i32>} : memref<40x32xi32, #tpu.memory_space<vmem>>, vector<1x16xi32>,
      %get3A_474 = vector.shape_cast %get3A_473 : vector<1x16xi32> to vector<16xi32>
      %shift_right_arithmetic3A_475 = arith.constant 3 : i32
      %shift_right_arithmetic3A_476 = arith.shrsi %scan3A_468, %shift_right_arithmetic3A_475 : i32
      %and3A_477 = arith.constant 7 : i32
      %and3A_478 = arith.andi %scan3A_468, %and3A_477 : i32
      %shift_left3A_479 = arith.constant 4 : i32
      %shift_left3A_480 = arith.shli %and3A_478, %shift_left3A_479 : i32
      %swap3A = arith.index_cast %shift_right_arithmetic3A_476 : i32 to index
      %swap3A_481 = arith.index_cast %shift_left3A_480 : i32 to index
      %swap3A_482 = tpu.vector_load %arg9[%swap3A, %swap3A_481] {strides = array<i32>} : memref<10x128xi32, #tpu.memory_space<vmem>>, vector<1x16xi32>,
      %swap3A_483 = vector.shape_cast %swap3A_482 : vector<1x16xi32> to vector<16xi32>
      %swap3A_484 = vector.shape_cast %get3A_474 : vector<16xi32> to vector<1x16xi32>
      tpu.vector_store %arg9[%swap3A, %swap3A_481], %swap3A_484 {strides = array<i32>} : memref<10x128xi32, #tpu.memory_space<vmem>>, vector<1x16xi32>,
    }
    %scan3A_237 = arith.constant 80 : i32
    %dma_start3A_238 = arith.constant 0 : i32
    %dma_start3A_239 = arith.constant 0 : i32
    %dma_start3A_240 = arith.constant 0 : i32
    %dma_start3A_241 = tpu.memref_slice %arg11[%dma_start3A_239, %dma_start3A_240] : memref<1280x32xf32, #tpu.memory_space<vmem>> -> memref<128x32xf32, #tpu.memory_space<vmem>>
    %dma_start3A_242 = arith.constant 0 : i32
    %dma_start3A_243 = tpu.memref_slice %arg9[%dma_start3A_238, %dma_start3A_242] : memref<10x128xi32, #tpu.memory_space<vmem>> -> memref<1x128xi32, #tpu.memory_space<vmem>>
    %dma_start3A_244 = tpu.memref_squeeze %dma_start3A_243 : memref<1x128xi32, #tpu.memory_space<vmem>> -> memref<128xi32, #tpu.memory_space<vmem>>
    %dma_start3A_245 = arith.constant 0 : i32
    %dma_start3A_246 = arith.constant 0 : i32
    %dma_start3A_247 = tpu.memref_slice %arg6[%dma_start3A_245, %dma_start3A_246] : memref<513x32xf32, #tpu.memory_space<vmem_shared>> -> memref<513x32xf32, #tpu.memory_space<vmem_shared>>
    tpu.enqueue_indirect_dma source(%dma_start3A_247 : memref<513x32xf32, #tpu.memory_space<vmem_shared>>) target(%dma_start3A_241 : memref<128x32xf32, #tpu.memory_space<vmem>>) offsets(%dma_start3A_244 : memref<128xi32, #tpu.memory_space<vmem>>) semaphore(%arg13 : memref<!tpu.dma_semaphore, #tpu.memory_space<semaphore_mem>>)
    %dma_start3A_248 = arith.constant 1 : i32
    %dma_start3A_249 = arith.constant 128 : i32
    %dma_start3A_250 = arith.constant 0 : i32
    %dma_start3A_251 = tpu.memref_slice %arg11[%dma_start3A_249, %dma_start3A_250] : memref<1280x32xf32, #tpu.memory_space<vmem>> -> memref<128x32xf32, #tpu.memory_space<vmem>>
    %dma_start3A_252 = arith.constant 0 : i32
    %dma_start3A_253 = tpu.memref_slice %arg9[%dma_start3A_248, %dma_start3A_252] : memref<10x128xi32, #tpu.memory_space<vmem>> -> memref<1x128xi32, #tpu.memory_space<vmem>>
    %dma_start3A_254 = tpu.memref_squeeze %dma_start3A_253 : memref<1x128xi32, #tpu.memory_space<vmem>> -> memref<128xi32, #tpu.memory_space<vmem>>
    %dma_start3A_255 = arith.constant 0 : i32
    %dma_start3A_256 = arith.constant 0 : i32
    %dma_start3A_257 = tpu.memref_slice %arg6[%dma_start3A_255, %dma_start3A_256] : memref<513x32xf32, #tpu.memory_space<vmem_shared>> -> memref<513x32xf32, #tpu.memory_space<vmem_shared>>
    tpu.enqueue_indirect_dma source(%dma_start3A_257 : memref<513x32xf32, #tpu.memory_space<vmem_shared>>) target(%dma_start3A_251 : memref<128x32xf32, #tpu.memory_space<vmem>>) offsets(%dma_start3A_254 : memref<128xi32, #tpu.memory_space<vmem>>) semaphore(%arg13 : memref<!tpu.dma_semaphore, #tpu.memory_space<semaphore_mem>>)
    %dma_start3A_258 = arith.constant 2 : i32
    %dma_start3A_259 = arith.constant 256 : i32
    %dma_start3A_260 = arith.constant 0 : i32
    %dma_start3A_261 = tpu.memref_slice %arg11[%dma_start3A_259, %dma_start3A_260] : memref<1280x32xf32, #tpu.memory_space<vmem>> -> memref<128x32xf32, #tpu.memory_space<vmem>>
    %dma_start3A_262 = arith.constant 0 : i32
    %dma_start3A_263 = tpu.memref_slice %arg9[%dma_start3A_258, %dma_start3A_262] : memref<10x128xi32, #tpu.memory_space<vmem>> -> memref<1x128xi32, #tpu.memory_space<vmem>>
    %dma_start3A_264 = tpu.memref_squeeze %dma_start3A_263 : memref<1x128xi32, #tpu.memory_space<vmem>> -> memref<128xi32, #tpu.memory_space<vmem>>
    %dma_start3A_265 = arith.constant 0 : i32
    %dma_start3A_266 = arith.constant 0 : i32
    %dma_start3A_267 = tpu.memref_slice %arg6[%dma_start3A_265, %dma_start3A_266] : memref<513x32xf32, #tpu.memory_space<vmem_shared>> -> memref<513x32xf32, #tpu.memory_space<vmem_shared>>
    tpu.enqueue_indirect_dma source(%dma_start3A_267 : memref<513x32xf32, #tpu.memory_space<vmem_shared>>) target(%dma_start3A_261 : memref<128x32xf32, #tpu.memory_space<vmem>>) offsets(%dma_start3A_264 : memref<128xi32, #tpu.memory_space<vmem>>) semaphore(%arg13 : memref<!tpu.dma_semaphore, #tpu.memory_space<semaphore_mem>>)
    %dma_start3A_268 = arith.constant 3 : i32
    %dma_start3A_269 = arith.constant 384 : i32
    %dma_start3A_270 = arith.constant 0 : i32
    %dma_start3A_271 = tpu.memref_slice %arg11[%dma_start3A_269, %dma_start3A_270] : memref<1280x32xf32, #tpu.memory_space<vmem>> -> memref<128x32xf32, #tpu.memory_space<vmem>>
    %dma_start3A_272 = arith.constant 0 : i32
    %dma_start3A_273 = tpu.memref_slice %arg9[%dma_start3A_268, %dma_start3A_272] : memref<10x128xi32, #tpu.memory_space<vmem>> -> memref<1x128xi32, #tpu.memory_space<vmem>>
    %dma_start3A_274 = tpu.memref_squeeze %dma_start3A_273 : memref<1x128xi32, #tpu.memory_space<vmem>> -> memref<128xi32, #tpu.memory_space<vmem>>
    %dma_start3A_275 = arith.constant 0 : i32
    %dma_start3A_276 = arith.constant 0 : i32
    %dma_start3A_277 = tpu.memref_slice %arg6[%dma_start3A_275, %dma_start3A_276] : memref<513x32xf32, #tpu.memory_space<vmem_shared>> -> memref<513x32xf32, #tpu.memory_space<vmem_shared>>
    tpu.enqueue_indirect_dma source(%dma_start3A_277 : memref<513x32xf32, #tpu.memory_space<vmem_shared>>) target(%dma_start3A_271 : memref<128x32xf32, #tpu.memory_space<vmem>>) offsets(%dma_start3A_274 : memref<128xi32, #tpu.memory_space<vmem>>) semaphore(%arg13 : memref<!tpu.dma_semaphore, #tpu.memory_space<semaphore_mem>>)
    %dma_start3A_278 = arith.constant 4 : i32
    %dma_start3A_279 = arith.constant 512 : i32
    %dma_start3A_280 = arith.constant 0 : i32
    %dma_start3A_281 = tpu.memref_slice %arg11[%dma_start3A_279, %dma_start3A_280] : memref<1280x32xf32, #tpu.memory_space<vmem>> -> memref<128x32xf32, #tpu.memory_space<vmem>>
    %dma_start3A_282 = arith.constant 0 : i32
    %dma_start3A_283 = tpu.memref_slice %arg9[%dma_start3A_278, %dma_start3A_282] : memref<10x128xi32, #tpu.memory_space<vmem>> -> memref<1x128xi32, #tpu.memory_space<vmem>>
    %dma_start3A_284 = tpu.memref_squeeze %dma_start3A_283 : memref<1x128xi32, #tpu.memory_space<vmem>> -> memref<128xi32, #tpu.memory_space<vmem>>
    %dma_start3A_285 = arith.constant 0 : i32
    %dma_start3A_286 = arith.constant 0 : i32
    %dma_start3A_287 = tpu.memref_slice %arg6[%dma_start3A_285, %dma_start3A_286] : memref<513x32xf32, #tpu.memory_space<vmem_shared>> -> memref<513x32xf32, #tpu.memory_space<vmem_shared>>
    tpu.enqueue_indirect_dma source(%dma_start3A_287 : memref<513x32xf32, #tpu.memory_space<vmem_shared>>) target(%dma_start3A_281 : memref<128x32xf32, #tpu.memory_space<vmem>>) offsets(%dma_start3A_284 : memref<128xi32, #tpu.memory_space<vmem>>) semaphore(%arg13 : memref<!tpu.dma_semaphore, #tpu.memory_space<semaphore_mem>>)
    %dma_start3A_288 = arith.constant 5 : i32
    %dma_start3A_289 = arith.constant 640 : i32
    %dma_start3A_290 = arith.constant 0 : i32
    %dma_start3A_291 = tpu.memref_slice %arg11[%dma_start3A_289, %dma_start3A_290] : memref<1280x32xf32, #tpu.memory_space<vmem>> -> memref<128x32xf32, #tpu.memory_space<vmem>>
    %dma_start3A_292 = arith.constant 0 : i32
    %dma_start3A_293 = tpu.memref_slice %arg9[%dma_start3A_288, %dma_start3A_292] : memref<10x128xi32, #tpu.memory_space<vmem>> -> memref<1x128xi32, #tpu.memory_space<vmem>>
    %dma_start3A_294 = tpu.memref_squeeze %dma_start3A_293 : memref<1x128xi32, #tpu.memory_space<vmem>> -> memref<128xi32, #tpu.memory_space<vmem>>
    %dma_start3A_295 = arith.constant 0 : i32
    %dma_start3A_296 = arith.constant 0 : i32
    %dma_start3A_297 = tpu.memref_slice %arg6[%dma_start3A_295, %dma_start3A_296] : memref<513x32xf32, #tpu.memory_space<vmem_shared>> -> memref<513x32xf32, #tpu.memory_space<vmem_shared>>
    tpu.enqueue_indirect_dma source(%dma_start3A_297 : memref<513x32xf32, #tpu.memory_space<vmem_shared>>) target(%dma_start3A_291 : memref<128x32xf32, #tpu.memory_space<vmem>>) offsets(%dma_start3A_294 : memref<128xi32, #tpu.memory_space<vmem>>) semaphore(%arg13 : memref<!tpu.dma_semaphore, #tpu.memory_space<semaphore_mem>>)
    %dma_start3A_298 = arith.constant 6 : i32
    %dma_start3A_299 = arith.constant 768 : i32
    %dma_start3A_300 = arith.constant 0 : i32
    %dma_start3A_301 = tpu.memref_slice %arg11[%dma_start3A_299, %dma_start3A_300] : memref<1280x32xf32, #tpu.memory_space<vmem>> -> memref<128x32xf32, #tpu.memory_space<vmem>>
    %dma_start3A_302 = arith.constant 0 : i32
    %dma_start3A_303 = tpu.memref_slice %arg9[%dma_start3A_298, %dma_start3A_302] : memref<10x128xi32, #tpu.memory_space<vmem>> -> memref<1x128xi32, #tpu.memory_space<vmem>>
    %dma_start3A_304 = tpu.memref_squeeze %dma_start3A_303 : memref<1x128xi32, #tpu.memory_space<vmem>> -> memref<128xi32, #tpu.memory_space<vmem>>
    %dma_start3A_305 = arith.constant 0 : i32
    %dma_start3A_306 = arith.constant 0 : i32
    %dma_start3A_307 = tpu.memref_slice %arg6[%dma_start3A_305, %dma_start3A_306] : memref<513x32xf32, #tpu.memory_space<vmem_shared>> -> memref<513x32xf32, #tpu.memory_space<vmem_shared>>
    tpu.enqueue_indirect_dma source(%dma_start3A_307 : memref<513x32xf32, #tpu.memory_space<vmem_shared>>) target(%dma_start3A_301 : memref<128x32xf32, #tpu.memory_space<vmem>>) offsets(%dma_start3A_304 : memref<128xi32, #tpu.memory_space<vmem>>) semaphore(%arg13 : memref<!tpu.dma_semaphore, #tpu.memory_space<semaphore_mem>>)
    %dma_start3A_308 = arith.constant 7 : i32
    %dma_start3A_309 = arith.constant 896 : i32
    %dma_start3A_310 = arith.constant 0 : i32
    %dma_start3A_311 = tpu.memref_slice %arg11[%dma_start3A_309, %dma_start3A_310] : memref<1280x32xf32, #tpu.memory_space<vmem>> -> memref<128x32xf32, #tpu.memory_space<vmem>>
    %dma_start3A_312 = arith.constant 0 : i32
    %dma_start3A_313 = tpu.memref_slice %arg9[%dma_start3A_308, %dma_start3A_312] : memref<10x128xi32, #tpu.memory_space<vmem>> -> memref<1x128xi32, #tpu.memory_space<vmem>>
    %dma_start3A_314 = tpu.memref_squeeze %dma_start3A_313 : memref<1x128xi32, #tpu.memory_space<vmem>> -> memref<128xi32, #tpu.memory_space<vmem>>
    %dma_start3A_315 = arith.constant 0 : i32
    %dma_start3A_316 = arith.constant 0 : i32
    %dma_start3A_317 = tpu.memref_slice %arg6[%dma_start3A_315, %dma_start3A_316] : memref<513x32xf32, #tpu.memory_space<vmem_shared>> -> memref<513x32xf32, #tpu.memory_space<vmem_shared>>
    tpu.enqueue_indirect_dma source(%dma_start3A_317 : memref<513x32xf32, #tpu.memory_space<vmem_shared>>) target(%dma_start3A_311 : memref<128x32xf32, #tpu.memory_space<vmem>>) offsets(%dma_start3A_314 : memref<128xi32, #tpu.memory_space<vmem>>) semaphore(%arg13 : memref<!tpu.dma_semaphore, #tpu.memory_space<semaphore_mem>>)
    %dma_start3A_318 = arith.constant 8 : i32
    %dma_start3A_319 = arith.constant 1024 : i32
    %dma_start3A_320 = arith.constant 0 : i32
    %dma_start3A_321 = tpu.memref_slice %arg11[%dma_start3A_319, %dma_start3A_320] : memref<1280x32xf32, #tpu.memory_space<vmem>> -> memref<128x32xf32, #tpu.memory_space<vmem>>
    %dma_start3A_322 = arith.constant 0 : i32
    %dma_start3A_323 = tpu.memref_slice %arg9[%dma_start3A_318, %dma_start3A_322] : memref<10x128xi32, #tpu.memory_space<vmem>> -> memref<1x128xi32, #tpu.memory_space<vmem>>
    %dma_start3A_324 = tpu.memref_squeeze %dma_start3A_323 : memref<1x128xi32, #tpu.memory_space<vmem>> -> memref<128xi32, #tpu.memory_space<vmem>>
    %dma_start3A_325 = arith.constant 0 : i32
    %dma_start3A_326 = arith.constant 0 : i32
    %dma_start3A_327 = tpu.memref_slice %arg6[%dma_start3A_325, %dma_start3A_326] : memref<513x32xf32, #tpu.memory_space<vmem_shared>> -> memref<513x32xf32, #tpu.memory_space<vmem_shared>>
    tpu.enqueue_indirect_dma source(%dma_start3A_327 : memref<513x32xf32, #tpu.memory_space<vmem_shared>>) target(%dma_start3A_321 : memref<128x32xf32, #tpu.memory_space<vmem>>) offsets(%dma_start3A_324 : memref<128xi32, #tpu.memory_space<vmem>>) semaphore(%arg13 : memref<!tpu.dma_semaphore, #tpu.memory_space<semaphore_mem>>)
    %dma_start3A_328 = arith.constant 9 : i32
    %dma_start3A_329 = arith.constant 1152 : i32
    %dma_start3A_330 = arith.constant 0 : i32
    %dma_start3A_331 = tpu.memref_slice %arg11[%dma_start3A_329, %dma_start3A_330] : memref<1280x32xf32, #tpu.memory_space<vmem>> -> memref<128x32xf32, #tpu.memory_space<vmem>>
    %dma_start3A_332 = arith.constant 0 : i32
    %dma_start3A_333 = tpu.memref_slice %arg9[%dma_start3A_328, %dma_start3A_332] : memref<10x128xi32, #tpu.memory_space<vmem>> -> memref<1x128xi32, #tpu.memory_space<vmem>>
    %dma_start3A_334 = tpu.memref_squeeze %dma_start3A_333 : memref<1x128xi32, #tpu.memory_space<vmem>> -> memref<128xi32, #tpu.memory_space<vmem>>
    %dma_start3A_335 = arith.constant 0 : i32
    %dma_start3A_336 = arith.constant 0 : i32
    %dma_start3A_337 = tpu.memref_slice %arg6[%dma_start3A_335, %dma_start3A_336] : memref<513x32xf32, #tpu.memory_space<vmem_shared>> -> memref<513x32xf32, #tpu.memory_space<vmem_shared>>
    tpu.enqueue_indirect_dma source(%dma_start3A_337 : memref<513x32xf32, #tpu.memory_space<vmem_shared>>) target(%dma_start3A_331 : memref<128x32xf32, #tpu.memory_space<vmem>>) offsets(%dma_start3A_334 : memref<128xi32, #tpu.memory_space<vmem>>) semaphore(%arg13 : memref<!tpu.dma_semaphore, #tpu.memory_space<semaphore_mem>>)
    %dma_wait3A_338 = arith.constant 0 : i32
    %dma_wait3A_339 = arith.constant 0 : i32
    %dma_wait3A_340 = arith.constant 0 : i32
    %dma_wait3A_341 = tpu.memref_slice %arg11[%dma_wait3A_339, %dma_wait3A_340] : memref<1280x32xf32, #tpu.memory_space<vmem>> -> memref<128x32xf32, #tpu.memory_space<vmem>>
    %dma_wait3A_342 = arith.constant 0 : i32
    %dma_wait3A_343 = tpu.memref_slice %arg9[%dma_wait3A_338, %dma_wait3A_342] : memref<10x128xi32, #tpu.memory_space<vmem>> -> memref<1x128xi32, #tpu.memory_space<vmem>>
    %dma_wait3A_344 = tpu.memref_squeeze %dma_wait3A_343 : memref<1x128xi32, #tpu.memory_space<vmem>> -> memref<128xi32, #tpu.memory_space<vmem>>
    %dma_wait3A_345 = arith.constant 0 : i32
    %dma_wait3A_346 = arith.constant 0 : i32
    %dma_wait3A_347 = tpu.memref_slice %arg6[%dma_wait3A_345, %dma_wait3A_346] : memref<513x32xf32, #tpu.memory_space<vmem_shared>> -> memref<513x32xf32, #tpu.memory_space<vmem_shared>>
    tpu.wait_indirect_dma semaphore(%arg13 : memref<!tpu.dma_semaphore, #tpu.memory_space<semaphore_mem>>) src(%dma_wait3A_347 : memref<513x32xf32, #tpu.memory_space<vmem_shared>>) dst(%dma_wait3A_341 : memref<128x32xf32, #tpu.memory_space<vmem>>)
    %dma_wait3A_348 = arith.constant 1 : i32
    %dma_wait3A_349 = arith.constant 128 : i32
    %dma_wait3A_350 = arith.constant 0 : i32
    %dma_wait3A_351 = tpu.memref_slice %arg11[%dma_wait3A_349, %dma_wait3A_350] : memref<1280x32xf32, #tpu.memory_space<vmem>> -> memref<128x32xf32, #tpu.memory_space<vmem>>
    %dma_wait3A_352 = arith.constant 0 : i32
    %dma_wait3A_353 = tpu.memref_slice %arg9[%dma_wait3A_348, %dma_wait3A_352] : memref<10x128xi32, #tpu.memory_space<vmem>> -> memref<1x128xi32, #tpu.memory_space<vmem>>
    %dma_wait3A_354 = tpu.memref_squeeze %dma_wait3A_353 : memref<1x128xi32, #tpu.memory_space<vmem>> -> memref<128xi32, #tpu.memory_space<vmem>>
    %dma_wait3A_355 = arith.constant 0 : i32
    %dma_wait3A_356 = arith.constant 0 : i32
    %dma_wait3A_357 = tpu.memref_slice %arg6[%dma_wait3A_355, %dma_wait3A_356] : memref<513x32xf32, #tpu.memory_space<vmem_shared>> -> memref<513x32xf32, #tpu.memory_space<vmem_shared>>
    tpu.wait_indirect_dma semaphore(%arg13 : memref<!tpu.dma_semaphore, #tpu.memory_space<semaphore_mem>>) src(%dma_wait3A_357 : memref<513x32xf32, #tpu.memory_space<vmem_shared>>) dst(%dma_wait3A_351 : memref<128x32xf32, #tpu.memory_space<vmem>>)
    %dma_wait3A_358 = arith.constant 2 : i32
    %dma_wait3A_359 = arith.constant 256 : i32
    %dma_wait3A_360 = arith.constant 0 : i32
    %dma_wait3A_361 = tpu.memref_slice %arg11[%dma_wait3A_359, %dma_wait3A_360] : memref<1280x32xf32, #tpu.memory_space<vmem>> -> memref<128x32xf32, #tpu.memory_space<vmem>>
    %dma_wait3A_362 = arith.constant 0 : i32
    %dma_wait3A_363 = tpu.memref_slice %arg9[%dma_wait3A_358, %dma_wait3A_362] : memref<10x128xi32, #tpu.memory_space<vmem>> -> memref<1x128xi32, #tpu.memory_space<vmem>>
    %dma_wait3A_364 = tpu.memref_squeeze %dma_wait3A_363 : memref<1x128xi32, #tpu.memory_space<vmem>> -> memref<128xi32, #tpu.memory_space<vmem>>
    %dma_wait3A_365 = arith.constant 0 : i32
    %dma_wait3A_366 = arith.constant 0 : i32
    %dma_wait3A_367 = tpu.memref_slice %arg6[%dma_wait3A_365, %dma_wait3A_366] : memref<513x32xf32, #tpu.memory_space<vmem_shared>> -> memref<513x32xf32, #tpu.memory_space<vmem_shared>>
    tpu.wait_indirect_dma semaphore(%arg13 : memref<!tpu.dma_semaphore, #tpu.memory_space<semaphore_mem>>) src(%dma_wait3A_367 : memref<513x32xf32, #tpu.memory_space<vmem_shared>>) dst(%dma_wait3A_361 : memref<128x32xf32, #tpu.memory_space<vmem>>)
    %dma_wait3A_368 = arith.constant 3 : i32
    %dma_wait3A_369 = arith.constant 384 : i32
    %dma_wait3A_370 = arith.constant 0 : i32
    %dma_wait3A_371 = tpu.memref_slice %arg11[%dma_wait3A_369, %dma_wait3A_370] : memref<1280x32xf32, #tpu.memory_space<vmem>> -> memref<128x32xf32, #tpu.memory_space<vmem>>
    %dma_wait3A_372 = arith.constant 0 : i32
    %dma_wait3A_373 = tpu.memref_slice %arg9[%dma_wait3A_368, %dma_wait3A_372] : memref<10x128xi32, #tpu.memory_space<vmem>> -> memref<1x128xi32, #tpu.memory_space<vmem>>
    %dma_wait3A_374 = tpu.memref_squeeze %dma_wait3A_373 : memref<1x128xi32, #tpu.memory_space<vmem>> -> memref<128xi32, #tpu.memory_space<vmem>>
    %dma_wait3A_375 = arith.constant 0 : i32
    %dma_wait3A_376 = arith.constant 0 : i32
    %dma_wait3A_377 = tpu.memref_slice %arg6[%dma_wait3A_375, %dma_wait3A_376] : memref<513x32xf32, #tpu.memory_space<vmem_shared>> -> memref<513x32xf32, #tpu.memory_space<vmem_shared>>
    tpu.wait_indirect_dma semaphore(%arg13 : memref<!tpu.dma_semaphore, #tpu.memory_space<semaphore_mem>>) src(%dma_wait3A_377 : memref<513x32xf32, #tpu.memory_space<vmem_shared>>) dst(%dma_wait3A_371 : memref<128x32xf32, #tpu.memory_space<vmem>>)
    %dma_wait3A_378 = arith.constant 4 : i32
    %dma_wait3A_379 = arith.constant 512 : i32
    %dma_wait3A_380 = arith.constant 0 : i32
    %dma_wait3A_381 = tpu.memref_slice %arg11[%dma_wait3A_379, %dma_wait3A_380] : memref<1280x32xf32, #tpu.memory_space<vmem>> -> memref<128x32xf32, #tpu.memory_space<vmem>>
    %dma_wait3A_382 = arith.constant 0 : i32
    %dma_wait3A_383 = tpu.memref_slice %arg9[%dma_wait3A_378, %dma_wait3A_382] : memref<10x128xi32, #tpu.memory_space<vmem>> -> memref<1x128xi32, #tpu.memory_space<vmem>>
    %dma_wait3A_384 = tpu.memref_squeeze %dma_wait3A_383 : memref<1x128xi32, #tpu.memory_space<vmem>> -> memref<128xi32, #tpu.memory_space<vmem>>
    %dma_wait3A_385 = arith.constant 0 : i32
    %dma_wait3A_386 = arith.constant 0 : i32
    %dma_wait3A_387 = tpu.memref_slice %arg6[%dma_wait3A_385, %dma_wait3A_386] : memref<513x32xf32, #tpu.memory_space<vmem_shared>> -> memref<513x32xf32, #tpu.memory_space<vmem_shared>>
    tpu.wait_indirect_dma semaphore(%arg13 : memref<!tpu.dma_semaphore, #tpu.memory_space<semaphore_mem>>) src(%dma_wait3A_387 : memref<513x32xf32, #tpu.memory_space<vmem_shared>>) dst(%dma_wait3A_381 : memref<128x32xf32, #tpu.memory_space<vmem>>)
    %dma_wait3A_388 = arith.constant 5 : i32
    %dma_wait3A_389 = arith.constant 640 : i32
    %dma_wait3A_390 = arith.constant 0 : i32
    %dma_wait3A_391 = tpu.memref_slice %arg11[%dma_wait3A_389, %dma_wait3A_390] : memref<1280x32xf32, #tpu.memory_space<vmem>> -> memref<128x32xf32, #tpu.memory_space<vmem>>
    %dma_wait3A_392 = arith.constant 0 : i32
    %dma_wait3A_393 = tpu.memref_slice %arg9[%dma_wait3A_388, %dma_wait3A_392] : memref<10x128xi32, #tpu.memory_space<vmem>> -> memref<1x128xi32, #tpu.memory_space<vmem>>
    %dma_wait3A_394 = tpu.memref_squeeze %dma_wait3A_393 : memref<1x128xi32, #tpu.memory_space<vmem>> -> memref<128xi32, #tpu.memory_space<vmem>>
    %dma_wait3A_395 = arith.constant 0 : i32
    %dma_wait3A_396 = arith.constant 0 : i32
    %dma_wait3A_397 = tpu.memref_slice %arg6[%dma_wait3A_395, %dma_wait3A_396] : memref<513x32xf32, #tpu.memory_space<vmem_shared>> -> memref<513x32xf32, #tpu.memory_space<vmem_shared>>
    tpu.wait_indirect_dma semaphore(%arg13 : memref<!tpu.dma_semaphore, #tpu.memory_space<semaphore_mem>>) src(%dma_wait3A_397 : memref<513x32xf32, #tpu.memory_space<vmem_shared>>) dst(%dma_wait3A_391 : memref<128x32xf32, #tpu.memory_space<vmem>>)
    %dma_wait3A_398 = arith.constant 6 : i32
    %dma_wait3A_399 = arith.constant 768 : i32
    %dma_wait3A_400 = arith.constant 0 : i32
    %dma_wait3A_401 = tpu.memref_slice %arg11[%dma_wait3A_399, %dma_wait3A_400] : memref<1280x32xf32, #tpu.memory_space<vmem>> -> memref<128x32xf32, #tpu.memory_space<vmem>>
    %dma_wait3A_402 = arith.constant 0 : i32
    %dma_wait3A_403 = tpu.memref_slice %arg9[%dma_wait3A_398, %dma_wait3A_402] : memref<10x128xi32, #tpu.memory_space<vmem>> -> memref<1x128xi32, #tpu.memory_space<vmem>>
    %dma_wait3A_404 = tpu.memref_squeeze %dma_wait3A_403 : memref<1x128xi32, #tpu.memory_space<vmem>> -> memref<128xi32, #tpu.memory_space<vmem>>
    %dma_wait3A_405 = arith.constant 0 : i32
    %dma_wait3A_406 = arith.constant 0 : i32
    %dma_wait3A_407 = tpu.memref_slice %arg6[%dma_wait3A_405, %dma_wait3A_406] : memref<513x32xf32, #tpu.memory_space<vmem_shared>> -> memref<513x32xf32, #tpu.memory_space<vmem_shared>>
    tpu.wait_indirect_dma semaphore(%arg13 : memref<!tpu.dma_semaphore, #tpu.memory_space<semaphore_mem>>) src(%dma_wait3A_407 : memref<513x32xf32, #tpu.memory_space<vmem_shared>>) dst(%dma_wait3A_401 : memref<128x32xf32, #tpu.memory_space<vmem>>)
    %dma_wait3A_408 = arith.constant 7 : i32
    %dma_wait3A_409 = arith.constant 896 : i32
    %dma_wait3A_410 = arith.constant 0 : i32
    %dma_wait3A_411 = tpu.memref_slice %arg11[%dma_wait3A_409, %dma_wait3A_410] : memref<1280x32xf32, #tpu.memory_space<vmem>> -> memref<128x32xf32, #tpu.memory_space<vmem>>
    %dma_wait3A_412 = arith.constant 0 : i32
    %dma_wait3A_413 = tpu.memref_slice %arg9[%dma_wait3A_408, %dma_wait3A_412] : memref<10x128xi32, #tpu.memory_space<vmem>> -> memref<1x128xi32, #tpu.memory_space<vmem>>
    %dma_wait3A_414 = tpu.memref_squeeze %dma_wait3A_413 : memref<1x128xi32, #tpu.memory_space<vmem>> -> memref<128xi32, #tpu.memory_space<vmem>>
    %dma_wait3A_415 = arith.constant 0 : i32
    %dma_wait3A_416 = arith.constant 0 : i32
    %dma_wait3A_417 = tpu.memref_slice %arg6[%dma_wait3A_415, %dma_wait3A_416] : memref<513x32xf32, #tpu.memory_space<vmem_shared>> -> memref<513x32xf32, #tpu.memory_space<vmem_shared>>
    tpu.wait_indirect_dma semaphore(%arg13 : memref<!tpu.dma_semaphore, #tpu.memory_space<semaphore_mem>>) src(%dma_wait3A_417 : memref<513x32xf32, #tpu.memory_space<vmem_shared>>) dst(%dma_wait3A_411 : memref<128x32xf32, #tpu.memory_space<vmem>>)
    %dma_wait3A_418 = arith.constant 8 : i32
    %dma_wait3A_419 = arith.constant 1024 : i32
    %dma_wait3A_420 = arith.constant 0 : i32
    %dma_wait3A_421 = tpu.memref_slice %arg11[%dma_wait3A_419, %dma_wait3A_420] : memref<1280x32xf32, #tpu.memory_space<vmem>> -> memref<128x32xf32, #tpu.memory_space<vmem>>
    %dma_wait3A_422 = arith.constant 0 : i32
    %dma_wait3A_423 = tpu.memref_slice %arg9[%dma_wait3A_418, %dma_wait3A_422] : memref<10x128xi32, #tpu.memory_space<vmem>> -> memref<1x128xi32, #tpu.memory_space<vmem>>
    %dma_wait3A_424 = tpu.memref_squeeze %dma_wait3A_423 : memref<1x128xi32, #tpu.memory_space<vmem>> -> memref<128xi32, #tpu.memory_space<vmem>>
    %dma_wait3A_425 = arith.constant 0 : i32
    %dma_wait3A_426 = arith.constant 0 : i32
    %dma_wait3A_427 = tpu.memref_slice %arg6[%dma_wait3A_425, %dma_wait3A_426] : memref<513x32xf32, #tpu.memory_space<vmem_shared>> -> memref<513x32xf32, #tpu.memory_space<vmem_shared>>
    tpu.wait_indirect_dma semaphore(%arg13 : memref<!tpu.dma_semaphore, #tpu.memory_space<semaphore_mem>>) src(%dma_wait3A_427 : memref<513x32xf32, #tpu.memory_space<vmem_shared>>) dst(%dma_wait3A_421 : memref<128x32xf32, #tpu.memory_space<vmem>>)
    %dma_wait3A_428 = arith.constant 9 : i32
    %dma_wait3A_429 = arith.constant 1152 : i32
    %dma_wait3A_430 = arith.constant 0 : i32
    %dma_wait3A_431 = tpu.memref_slice %arg11[%dma_wait3A_429, %dma_wait3A_430] : memref<1280x32xf32, #tpu.memory_space<vmem>> -> memref<128x32xf32, #tpu.memory_space<vmem>>
    %dma_wait3A_432 = arith.constant 0 : i32
    %dma_wait3A_433 = tpu.memref_slice %arg9[%dma_wait3A_428, %dma_wait3A_432] : memref<10x128xi32, #tpu.memory_space<vmem>> -> memref<1x128xi32, #tpu.memory_space<vmem>>
    %dma_wait3A_434 = tpu.memref_squeeze %dma_wait3A_433 : memref<1x128xi32, #tpu.memory_space<vmem>> -> memref<128xi32, #tpu.memory_space<vmem>>
    %dma_wait3A_435 = arith.constant 0 : i32
    %dma_wait3A_436 = arith.constant 0 : i32
    %dma_wait3A_437 = tpu.memref_slice %arg6[%dma_wait3A_435, %dma_wait3A_436] : memref<513x32xf32, #tpu.memory_space<vmem_shared>> -> memref<513x32xf32, #tpu.memory_space<vmem_shared>>
    tpu.wait_indirect_dma semaphore(%arg13 : memref<!tpu.dma_semaphore, #tpu.memory_space<semaphore_mem>>) src(%dma_wait3A_437 : memref<513x32xf32, #tpu.memory_space<vmem_shared>>) dst(%dma_wait3A_431 : memref<128x32xf32, #tpu.memory_space<vmem>>)
    %add3A_438 = arith.constant 40 : i32
    %add3A_439 = arith.addi %mul3A_2, %add3A_438 : i32
    %mul3A_440 = arith.constant 32 : i32
    %mul3A_441 = arith.muli %add3A_439, %mul3A_440 : i32
    %dma_start3A_442 = arith.constant 0 : i32
    %dma_start3A_443 = tpu.memref_slice %arg5[%mul3A_441, %dma_start3A_442] : memref<1638400x32xf32, #tpu.memory_space<hbm>> -> memref<1280x32xf32, #tpu.memory_space<hbm>>
    %dma_start3A_444 = arith.constant 0 : i32
    %dma_start3A_445 = tpu.memref_slice %arg5[%mul3A_441, %dma_start3A_444] : memref<1638400x32xf32, #tpu.memory_space<hbm>> -> memref<1280x32xf32, #tpu.memory_space<hbm>>
    tpu.enqueue_dma source(%arg11 : memref<1280x32xf32, #tpu.memory_space<vmem>>) target(%dma_start3A_445 : memref<1280x32xf32, #tpu.memory_space<hbm>>) target_semaphore(%arg15 : memref<!tpu.dma_semaphore, #tpu.memory_space<semaphore_mem>>)
    %scan3A_446 = arith.constant 0 : i32
    %scan3A_447 = arith.constant 1 : i32
    %scan3A_448 = arith.constant 19 : i32
    %scan3A_449 = arith.addi %scan3A_447, %scan3A_448 : i32
    %scan3A_450 = arith.constant 1 : i32
    scf.for %scan3A_468 = %scan3A_447 to %scan3A_449 step %scan3A_450  : i32 {
      %mul3A_469 = arith.constant 2 : i32
      %mul3A_470 = arith.muli %scan3A_468, %mul3A_469 : i32
      %sub3A = arith.constant 2 : i32
      %sub3A_471 = arith.subi %mul3A_470, %sub3A : i32
      %mul3A_472 = arith.constant 40 : i32
      %mul3A_473 = arith.muli %sub3A_471, %mul3A_472 : i32
      %add3A_474 = arith.addi %mul3A_2, %mul3A_473 : i32
      %mul3A_475 = arith.constant 32 : i32
      %mul3A_476 = arith.muli %add3A_474, %mul3A_475 : i32
      %dma_wait3A_477 = arith.constant 0 : i32
      %dma_wait3A_478 = tpu.memref_slice %arg5[%mul3A_476, %dma_wait3A_477] : memref<1638400x32xf32, #tpu.memory_space<hbm>> -> memref<1280x32xf32, #tpu.memory_space<hbm>>
      %dma_wait3A_479 = arith.constant 0 : i32
      %dma_wait3A_480 = tpu.memref_slice %arg5[%mul3A_476, %dma_wait3A_479] : memref<1638400x32xf32, #tpu.memory_space<hbm>> -> memref<1280x32xf32, #tpu.memory_space<hbm>>
      tpu.wait_dma2 semaphore(%arg14 : memref<!tpu.dma_semaphore, #tpu.memory_space<semaphore_mem>>) src(%arg10 : memref<1280x32xf32, #tpu.memory_space<vmem>>) dst(%dma_wait3A_480 : memref<1280x32xf32, #tpu.memory_space<hbm>>)
      %mul3A_481 = arith.constant 40 : i32
      %mul3A_482 = arith.muli %mul3A_470, %mul3A_481 : i32
      %add3A_483 = arith.addi %mul3A_2, %mul3A_482 : i32
      "tpu.region"() ({
        %run_scoped3A = tpu.sem_alloc : memref<!tpu.dma_semaphore, #tpu.memory_space<semaphore_mem>>
        %dma_start3A_944 = tpu.memref_slice %arg2[%add3A_483] : memref<51200xi32, #tpu.memory_space<hbm>> -> memref<40xi32, #tpu.memory_space<hbm>>
        %dma_start3A_945 = tpu.memref_slice %arg2[%add3A_483] : memref<51200xi32, #tpu.memory_space<hbm>> -> memref<40xi32, #tpu.memory_space<hbm>>
        tpu.enqueue_dma source(%dma_start3A_945 : memref<40xi32, #tpu.memory_space<hbm>>) target(%arg7 : memref<40xi32, #tpu.memory_space<vmem>>) target_semaphore(%run_scoped3A : memref<!tpu.dma_semaphore, #tpu.memory_space<semaphore_mem>>)
        %dma_wait3A_946 = tpu.memref_slice %arg2[%add3A_483] : memref<51200xi32, #tpu.memory_space<hbm>> -> memref<40xi32, #tpu.memory_space<hbm>>
        %dma_wait3A_947 = tpu.memref_slice %arg2[%add3A_483] : memref<51200xi32, #tpu.memory_space<hbm>> -> memref<40xi32, #tpu.memory_space<hbm>>
        tpu.wait_dma2 semaphore(%run_scoped3A : memref<!tpu.dma_semaphore, #tpu.memory_space<semaphore_mem>>) src(%dma_wait3A_947 : memref<40xi32, #tpu.memory_space<hbm>>) dst(%arg7 : memref<40xi32, #tpu.memory_space<vmem>>)
        tpu.yield
      }) : () -> ()
      %dma_start3A_484 = arith.constant 0 : i32
      %dma_start3A_485 = arith.constant 0 : i32
      %dma_start3A_486 = tpu.memref_slice %arg3[%dma_start3A_484, %dma_start3A_485] : memref<100000x32xi32, #tpu.memory_space<hbm>> -> memref<100000x32xi32, #tpu.memory_space<hbm>>
      tpu.enqueue_indirect_dma source(%dma_start3A_486 : memref<100000x32xi32, #tpu.memory_space<hbm>>) target(%arg8 : memref<40x32xi32, #tpu.memory_space<vmem>>) offsets(%arg7 : memref<40xi32, #tpu.memory_space<vmem>>) semaphore(%arg12 : memref<!tpu.dma_semaphore, #tpu.memory_space<semaphore_mem>>)
      %dma_wait3A_487 = arith.constant 0 : i32
      %dma_wait3A_488 = arith.constant 0 : i32
      %dma_wait3A_489 = tpu.memref_slice %arg3[%dma_wait3A_487, %dma_wait3A_488] : memref<100000x32xi32, #tpu.memory_space<hbm>> -> memref<100000x32xi32, #tpu.memory_space<hbm>>
      tpu.wait_indirect_dma semaphore(%arg12 : memref<!tpu.dma_semaphore, #tpu.memory_space<semaphore_mem>>) src(%dma_wait3A_489 : memref<100000x32xi32, #tpu.memory_space<hbm>>) dst(%arg8 : memref<40x32xi32, #tpu.memory_space<vmem>>)
      %scan3A_490 = arith.constant 0 : i32
      %scan3A_491 = arith.constant 0 : i32
      %scan3A_492 = arith.constant 80 : i32
      %scan3A_493 = arith.addi %scan3A_491, %scan3A_492 : i32
      %scan3A_494 = arith.constant 1 : i32
      scf.for %scan3A_944 = %scan3A_491 to %scan3A_493 step %scan3A_494  : i32 {
        %shift_right_arithmetic3A = arith.constant 1 : i32
        %shift_right_arithmetic3A_945 = arith.shrsi %scan3A_944, %shift_right_arithmetic3A : i32
        %and3A = arith.constant 1 : i32
        %and3A_946 = arith.andi %scan3A_944, %and3A : i32
        %shift_left3A = arith.constant 4 : i32
        %shift_left3A_947 = arith.shli %and3A_946, %shift_left3A : i32
        %get3A = arith.index_cast %shift_right_arithmetic3A_945 : i32 to index
        %get3A_948 = arith.index_cast %shift_left3A_947 : i32 to index
        %get3A_949 = tpu.vector_load %arg8[%get3A, %get3A_948] {strides = array<i32>} : memref<40x32xi32, #tpu.memory_space<vmem>>, vector<1x16xi32>,
        %get3A_950 = vector.shape_cast %get3A_949 : vector<1x16xi32> to vector<16xi32>
        %shift_right_arithmetic3A_951 = arith.constant 3 : i32
        %shift_right_arithmetic3A_952 = arith.shrsi %scan3A_944, %shift_right_arithmetic3A_951 : i32
        %and3A_953 = arith.constant 7 : i32
        %and3A_954 = arith.andi %scan3A_944, %and3A_953 : i32
        %shift_left3A_955 = arith.constant 4 : i32
        %shift_left3A_956 = arith.shli %and3A_954, %shift_left3A_955 : i32
        %swap3A = arith.index_cast %shift_right_arithmetic3A_952 : i32 to index
        %swap3A_957 = arith.index_cast %shift_left3A_956 : i32 to index
        %swap3A_958 = tpu.vector_load %arg9[%swap3A, %swap3A_957] {strides = array<i32>} : memref<10x128xi32, #tpu.memory_space<vmem>>, vector<1x16xi32>,
        %swap3A_959 = vector.shape_cast %swap3A_958 : vector<1x16xi32> to vector<16xi32>
        %swap3A_960 = vector.shape_cast %get3A_950 : vector<16xi32> to vector<1x16xi32>
        tpu.vector_store %arg9[%swap3A, %swap3A_957], %swap3A_960 {strides = array<i32>} : memref<10x128xi32, #tpu.memory_space<vmem>>, vector<1x16xi32>,
      }
      %scan3A_495 = arith.constant 80 : i32
      %dma_start3A_496 = arith.constant 0 : i32
      %dma_start3A_497 = arith.constant 0 : i32
      %dma_start3A_498 = arith.constant 0 : i32
      %dma_start3A_499 = tpu.memref_slice %arg10[%dma_start3A_497, %dma_start3A_498] : memref<1280x32xf32, #tpu.memory_space<vmem>> -> memref<128x32xf32, #tpu.memory_space<vmem>>
      %dma_start3A_500 = arith.constant 0 : i32
      %dma_start3A_501 = tpu.memref_slice %arg9[%dma_start3A_496, %dma_start3A_500] : memref<10x128xi32, #tpu.memory_space<vmem>> -> memref<1x128xi32, #tpu.memory_space<vmem>>
      %dma_start3A_502 = tpu.memref_squeeze %dma_start3A_501 : memref<1x128xi32, #tpu.memory_space<vmem>> -> memref<128xi32, #tpu.memory_space<vmem>>
      %dma_start3A_503 = arith.constant 0 : i32
      %dma_start3A_504 = arith.constant 0 : i32
      %dma_start3A_505 = tpu.memref_slice %arg6[%dma_start3A_503, %dma_start3A_504] : memref<513x32xf32, #tpu.memory_space<vmem_shared>> -> memref<513x32xf32, #tpu.memory_space<vmem_shared>>
      tpu.enqueue_indirect_dma source(%dma_start3A_505 : memref<513x32xf32, #tpu.memory_space<vmem_shared>>) target(%dma_start3A_499 : memref<128x32xf32, #tpu.memory_space<vmem>>) offsets(%dma_start3A_502 : memref<128xi32, #tpu.memory_space<vmem>>) semaphore(%arg13 : memref<!tpu.dma_semaphore, #tpu.memory_space<semaphore_mem>>)
      %dma_start3A_506 = arith.constant 1 : i32
      %dma_start3A_507 = arith.constant 128 : i32
      %dma_start3A_508 = arith.constant 0 : i32
      %dma_start3A_509 = tpu.memref_slice %arg10[%dma_start3A_507, %dma_start3A_508] : memref<1280x32xf32, #tpu.memory_space<vmem>> -> memref<128x32xf32, #tpu.memory_space<vmem>>
      %dma_start3A_510 = arith.constant 0 : i32
      %dma_start3A_511 = tpu.memref_slice %arg9[%dma_start3A_506, %dma_start3A_510] : memref<10x128xi32, #tpu.memory_space<vmem>> -> memref<1x128xi32, #tpu.memory_space<vmem>>
      %dma_start3A_512 = tpu.memref_squeeze %dma_start3A_511 : memref<1x128xi32, #tpu.memory_space<vmem>> -> memref<128xi32, #tpu.memory_space<vmem>>
      %dma_start3A_513 = arith.constant 0 : i32
      %dma_start3A_514 = arith.constant 0 : i32
      %dma_start3A_515 = tpu.memref_slice %arg6[%dma_start3A_513, %dma_start3A_514] : memref<513x32xf32, #tpu.memory_space<vmem_shared>> -> memref<513x32xf32, #tpu.memory_space<vmem_shared>>
      tpu.enqueue_indirect_dma source(%dma_start3A_515 : memref<513x32xf32, #tpu.memory_space<vmem_shared>>) target(%dma_start3A_509 : memref<128x32xf32, #tpu.memory_space<vmem>>) offsets(%dma_start3A_512 : memref<128xi32, #tpu.memory_space<vmem>>) semaphore(%arg13 : memref<!tpu.dma_semaphore, #tpu.memory_space<semaphore_mem>>)
      %dma_start3A_516 = arith.constant 2 : i32
      %dma_start3A_517 = arith.constant 256 : i32
      %dma_start3A_518 = arith.constant 0 : i32
      %dma_start3A_519 = tpu.memref_slice %arg10[%dma_start3A_517, %dma_start3A_518] : memref<1280x32xf32, #tpu.memory_space<vmem>> -> memref<128x32xf32, #tpu.memory_space<vmem>>
      %dma_start3A_520 = arith.constant 0 : i32
      %dma_start3A_521 = tpu.memref_slice %arg9[%dma_start3A_516, %dma_start3A_520] : memref<10x128xi32, #tpu.memory_space<vmem>> -> memref<1x128xi32, #tpu.memory_space<vmem>>
      %dma_start3A_522 = tpu.memref_squeeze %dma_start3A_521 : memref<1x128xi32, #tpu.memory_space<vmem>> -> memref<128xi32, #tpu.memory_space<vmem>>
      %dma_start3A_523 = arith.constant 0 : i32
      %dma_start3A_524 = arith.constant 0 : i32
      %dma_start3A_525 = tpu.memref_slice %arg6[%dma_start3A_523, %dma_start3A_524] : memref<513x32xf32, #tpu.memory_space<vmem_shared>> -> memref<513x32xf32, #tpu.memory_space<vmem_shared>>
      tpu.enqueue_indirect_dma source(%dma_start3A_525 : memref<513x32xf32, #tpu.memory_space<vmem_shared>>) target(%dma_start3A_519 : memref<128x32xf32, #tpu.memory_space<vmem>>) offsets(%dma_start3A_522 : memref<128xi32, #tpu.memory_space<vmem>>) semaphore(%arg13 : memref<!tpu.dma_semaphore, #tpu.memory_space<semaphore_mem>>)
      %dma_start3A_526 = arith.constant 3 : i32
      %dma_start3A_527 = arith.constant 384 : i32
      %dma_start3A_528 = arith.constant 0 : i32
      %dma_start3A_529 = tpu.memref_slice %arg10[%dma_start3A_527, %dma_start3A_528] : memref<1280x32xf32, #tpu.memory_space<vmem>> -> memref<128x32xf32, #tpu.memory_space<vmem>>
      %dma_start3A_530 = arith.constant 0 : i32
      %dma_start3A_531 = tpu.memref_slice %arg9[%dma_start3A_526, %dma_start3A_530] : memref<10x128xi32, #tpu.memory_space<vmem>> -> memref<1x128xi32, #tpu.memory_space<vmem>>
      %dma_start3A_532 = tpu.memref_squeeze %dma_start3A_531 : memref<1x128xi32, #tpu.memory_space<vmem>> -> memref<128xi32, #tpu.memory_space<vmem>>
      %dma_start3A_533 = arith.constant 0 : i32
      %dma_start3A_534 = arith.constant 0 : i32
      %dma_start3A_535 = tpu.memref_slice %arg6[%dma_start3A_533, %dma_start3A_534] : memref<513x32xf32, #tpu.memory_space<vmem_shared>> -> memref<513x32xf32, #tpu.memory_space<vmem_shared>>
      tpu.enqueue_indirect_dma source(%dma_start3A_535 : memref<513x32xf32, #tpu.memory_space<vmem_shared>>) target(%dma_start3A_529 : memref<128x32xf32, #tpu.memory_space<vmem>>) offsets(%dma_start3A_532 : memref<128xi32, #tpu.memory_space<vmem>>) semaphore(%arg13 : memref<!tpu.dma_semaphore, #tpu.memory_space<semaphore_mem>>)
      %dma_start3A_536 = arith.constant 4 : i32
      %dma_start3A_537 = arith.constant 512 : i32
      %dma_start3A_538 = arith.constant 0 : i32
      %dma_start3A_539 = tpu.memref_slice %arg10[%dma_start3A_537, %dma_start3A_538] : memref<1280x32xf32, #tpu.memory_space<vmem>> -> memref<128x32xf32, #tpu.memory_space<vmem>>
      %dma_start3A_540 = arith.constant 0 : i32
      %dma_start3A_541 = tpu.memref_slice %arg9[%dma_start3A_536, %dma_start3A_540] : memref<10x128xi32, #tpu.memory_space<vmem>> -> memref<1x128xi32, #tpu.memory_space<vmem>>
      %dma_start3A_542 = tpu.memref_squeeze %dma_start3A_541 : memref<1x128xi32, #tpu.memory_space<vmem>> -> memref<128xi32, #tpu.memory_space<vmem>>
      %dma_start3A_543 = arith.constant 0 : i32
      %dma_start3A_544 = arith.constant 0 : i32
      %dma_start3A_545 = tpu.memref_slice %arg6[%dma_start3A_543, %dma_start3A_544] : memref<513x32xf32, #tpu.memory_space<vmem_shared>> -> memref<513x32xf32, #tpu.memory_space<vmem_shared>>
      tpu.enqueue_indirect_dma source(%dma_start3A_545 : memref<513x32xf32, #tpu.memory_space<vmem_shared>>) target(%dma_start3A_539 : memref<128x32xf32, #tpu.memory_space<vmem>>) offsets(%dma_start3A_542 : memref<128xi32, #tpu.memory_space<vmem>>) semaphore(%arg13 : memref<!tpu.dma_semaphore, #tpu.memory_space<semaphore_mem>>)
      %dma_start3A_546 = arith.constant 5 : i32
      %dma_start3A_547 = arith.constant 640 : i32
      %dma_start3A_548 = arith.constant 0 : i32
      %dma_start3A_549 = tpu.memref_slice %arg10[%dma_start3A_547, %dma_start3A_548] : memref<1280x32xf32, #tpu.memory_space<vmem>> -> memref<128x32xf32, #tpu.memory_space<vmem>>
      %dma_start3A_550 = arith.constant 0 : i32
      %dma_start3A_551 = tpu.memref_slice %arg9[%dma_start3A_546, %dma_start3A_550] : memref<10x128xi32, #tpu.memory_space<vmem>> -> memref<1x128xi32, #tpu.memory_space<vmem>>
      %dma_start3A_552 = tpu.memref_squeeze %dma_start3A_551 : memref<1x128xi32, #tpu.memory_space<vmem>> -> memref<128xi32, #tpu.memory_space<vmem>>
      %dma_start3A_553 = arith.constant 0 : i32
      %dma_start3A_554 = arith.constant 0 : i32
      %dma_start3A_555 = tpu.memref_slice %arg6[%dma_start3A_553, %dma_start3A_554] : memref<513x32xf32, #tpu.memory_space<vmem_shared>> -> memref<513x32xf32, #tpu.memory_space<vmem_shared>>
      tpu.enqueue_indirect_dma source(%dma_start3A_555 : memref<513x32xf32, #tpu.memory_space<vmem_shared>>) target(%dma_start3A_549 : memref<128x32xf32, #tpu.memory_space<vmem>>) offsets(%dma_start3A_552 : memref<128xi32, #tpu.memory_space<vmem>>) semaphore(%arg13 : memref<!tpu.dma_semaphore, #tpu.memory_space<semaphore_mem>>)
      %dma_start3A_556 = arith.constant 6 : i32
      %dma_start3A_557 = arith.constant 768 : i32
      %dma_start3A_558 = arith.constant 0 : i32
      %dma_start3A_559 = tpu.memref_slice %arg10[%dma_start3A_557, %dma_start3A_558] : memref<1280x32xf32, #tpu.memory_space<vmem>> -> memref<128x32xf32, #tpu.memory_space<vmem>>
      %dma_start3A_560 = arith.constant 0 : i32
      %dma_start3A_561 = tpu.memref_slice %arg9[%dma_start3A_556, %dma_start3A_560] : memref<10x128xi32, #tpu.memory_space<vmem>> -> memref<1x128xi32, #tpu.memory_space<vmem>>
      %dma_start3A_562 = tpu.memref_squeeze %dma_start3A_561 : memref<1x128xi32, #tpu.memory_space<vmem>> -> memref<128xi32, #tpu.memory_space<vmem>>
      %dma_start3A_563 = arith.constant 0 : i32
      %dma_start3A_564 = arith.constant 0 : i32
      %dma_start3A_565 = tpu.memref_slice %arg6[%dma_start3A_563, %dma_start3A_564] : memref<513x32xf32, #tpu.memory_space<vmem_shared>> -> memref<513x32xf32, #tpu.memory_space<vmem_shared>>
      tpu.enqueue_indirect_dma source(%dma_start3A_565 : memref<513x32xf32, #tpu.memory_space<vmem_shared>>) target(%dma_start3A_559 : memref<128x32xf32, #tpu.memory_space<vmem>>) offsets(%dma_start3A_562 : memref<128xi32, #tpu.memory_space<vmem>>) semaphore(%arg13 : memref<!tpu.dma_semaphore, #tpu.memory_space<semaphore_mem>>)
      %dma_start3A_566 = arith.constant 7 : i32
      %dma_start3A_567 = arith.constant 896 : i32
      %dma_start3A_568 = arith.constant 0 : i32
      %dma_start3A_569 = tpu.memref_slice %arg10[%dma_start3A_567, %dma_start3A_568] : memref<1280x32xf32, #tpu.memory_space<vmem>> -> memref<128x32xf32, #tpu.memory_space<vmem>>
      %dma_start3A_570 = arith.constant 0 : i32
      %dma_start3A_571 = tpu.memref_slice %arg9[%dma_start3A_566, %dma_start3A_570] : memref<10x128xi32, #tpu.memory_space<vmem>> -> memref<1x128xi32, #tpu.memory_space<vmem>>
      %dma_start3A_572 = tpu.memref_squeeze %dma_start3A_571 : memref<1x128xi32, #tpu.memory_space<vmem>> -> memref<128xi32, #tpu.memory_space<vmem>>
      %dma_start3A_573 = arith.constant 0 : i32
      %dma_start3A_574 = arith.constant 0 : i32
      %dma_start3A_575 = tpu.memref_slice %arg6[%dma_start3A_573, %dma_start3A_574] : memref<513x32xf32, #tpu.memory_space<vmem_shared>> -> memref<513x32xf32, #tpu.memory_space<vmem_shared>>
      tpu.enqueue_indirect_dma source(%dma_start3A_575 : memref<513x32xf32, #tpu.memory_space<vmem_shared>>) target(%dma_start3A_569 : memref<128x32xf32, #tpu.memory_space<vmem>>) offsets(%dma_start3A_572 : memref<128xi32, #tpu.memory_space<vmem>>) semaphore(%arg13 : memref<!tpu.dma_semaphore, #tpu.memory_space<semaphore_mem>>)
      %dma_start3A_576 = arith.constant 8 : i32
      %dma_start3A_577 = arith.constant 1024 : i32
      %dma_start3A_578 = arith.constant 0 : i32
      %dma_start3A_579 = tpu.memref_slice %arg10[%dma_start3A_577, %dma_start3A_578] : memref<1280x32xf32, #tpu.memory_space<vmem>> -> memref<128x32xf32, #tpu.memory_space<vmem>>
      %dma_start3A_580 = arith.constant 0 : i32
      %dma_start3A_581 = tpu.memref_slice %arg9[%dma_start3A_576, %dma_start3A_580] : memref<10x128xi32, #tpu.memory_space<vmem>> -> memref<1x128xi32, #tpu.memory_space<vmem>>
      %dma_start3A_582 = tpu.memref_squeeze %dma_start3A_581 : memref<1x128xi32, #tpu.memory_space<vmem>> -> memref<128xi32, #tpu.memory_space<vmem>>
      %dma_start3A_583 = arith.constant 0 : i32
      %dma_start3A_584 = arith.constant 0 : i32
      %dma_start3A_585 = tpu.memref_slice %arg6[%dma_start3A_583, %dma_start3A_584] : memref<513x32xf32, #tpu.memory_space<vmem_shared>> -> memref<513x32xf32, #tpu.memory_space<vmem_shared>>
      tpu.enqueue_indirect_dma source(%dma_start3A_585 : memref<513x32xf32, #tpu.memory_space<vmem_shared>>) target(%dma_start3A_579 : memref<128x32xf32, #tpu.memory_space<vmem>>) offsets(%dma_start3A_582 : memref<128xi32, #tpu.memory_space<vmem>>) semaphore(%arg13 : memref<!tpu.dma_semaphore, #tpu.memory_space<semaphore_mem>>)
      %dma_start3A_586 = arith.constant 9 : i32
      %dma_start3A_587 = arith.constant 1152 : i32
      %dma_start3A_588 = arith.constant 0 : i32
      %dma_start3A_589 = tpu.memref_slice %arg10[%dma_start3A_587, %dma_start3A_588] : memref<1280x32xf32, #tpu.memory_space<vmem>> -> memref<128x32xf32, #tpu.memory_space<vmem>>
      %dma_start3A_590 = arith.constant 0 : i32
      %dma_start3A_591 = tpu.memref_slice %arg9[%dma_start3A_586, %dma_start3A_590] : memref<10x128xi32, #tpu.memory_space<vmem>> -> memref<1x128xi32, #tpu.memory_space<vmem>>
      %dma_start3A_592 = tpu.memref_squeeze %dma_start3A_591 : memref<1x128xi32, #tpu.memory_space<vmem>> -> memref<128xi32, #tpu.memory_space<vmem>>
      %dma_start3A_593 = arith.constant 0 : i32
      %dma_start3A_594 = arith.constant 0 : i32
      %dma_start3A_595 = tpu.memref_slice %arg6[%dma_start3A_593, %dma_start3A_594] : memref<513x32xf32, #tpu.memory_space<vmem_shared>> -> memref<513x32xf32, #tpu.memory_space<vmem_shared>>
      tpu.enqueue_indirect_dma source(%dma_start3A_595 : memref<513x32xf32, #tpu.memory_space<vmem_shared>>) target(%dma_start3A_589 : memref<128x32xf32, #tpu.memory_space<vmem>>) offsets(%dma_start3A_592 : memref<128xi32, #tpu.memory_space<vmem>>) semaphore(%arg13 : memref<!tpu.dma_semaphore, #tpu.memory_space<semaphore_mem>>)
      %dma_wait3A_596 = arith.constant 0 : i32
      %dma_wait3A_597 = arith.constant 0 : i32
      %dma_wait3A_598 = arith.constant 0 : i32
      %dma_wait3A_599 = tpu.memref_slice %arg10[%dma_wait3A_597, %dma_wait3A_598] : memref<1280x32xf32, #tpu.memory_space<vmem>> -> memref<128x32xf32, #tpu.memory_space<vmem>>
      %dma_wait3A_600 = arith.constant 0 : i32
      %dma_wait3A_601 = tpu.memref_slice %arg9[%dma_wait3A_596, %dma_wait3A_600] : memref<10x128xi32, #tpu.memory_space<vmem>> -> memref<1x128xi32, #tpu.memory_space<vmem>>
      %dma_wait3A_602 = tpu.memref_squeeze %dma_wait3A_601 : memref<1x128xi32, #tpu.memory_space<vmem>> -> memref<128xi32, #tpu.memory_space<vmem>>
      %dma_wait3A_603 = arith.constant 0 : i32
      %dma_wait3A_604 = arith.constant 0 : i32
      %dma_wait3A_605 = tpu.memref_slice %arg6[%dma_wait3A_603, %dma_wait3A_604] : memref<513x32xf32, #tpu.memory_space<vmem_shared>> -> memref<513x32xf32, #tpu.memory_space<vmem_shared>>
      tpu.wait_indirect_dma semaphore(%arg13 : memref<!tpu.dma_semaphore, #tpu.memory_space<semaphore_mem>>) src(%dma_wait3A_605 : memref<513x32xf32, #tpu.memory_space<vmem_shared>>) dst(%dma_wait3A_599 : memref<128x32xf32, #tpu.memory_space<vmem>>)
      %dma_wait3A_606 = arith.constant 1 : i32
      %dma_wait3A_607 = arith.constant 128 : i32
      %dma_wait3A_608 = arith.constant 0 : i32
      %dma_wait3A_609 = tpu.memref_slice %arg10[%dma_wait3A_607, %dma_wait3A_608] : memref<1280x32xf32, #tpu.memory_space<vmem>> -> memref<128x32xf32, #tpu.memory_space<vmem>>
      %dma_wait3A_610 = arith.constant 0 : i32
      %dma_wait3A_611 = tpu.memref_slice %arg9[%dma_wait3A_606, %dma_wait3A_610] : memref<10x128xi32, #tpu.memory_space<vmem>> -> memref<1x128xi32, #tpu.memory_space<vmem>>
      %dma_wait3A_612 = tpu.memref_squeeze %dma_wait3A_611 : memref<1x128xi32, #tpu.memory_space<vmem>> -> memref<128xi32, #tpu.memory_space<vmem>>
      %dma_wait3A_613 = arith.constant 0 : i32
      %dma_wait3A_614 = arith.constant 0 : i32
      %dma_wait3A_615 = tpu.memref_slice %arg6[%dma_wait3A_613, %dma_wait3A_614] : memref<513x32xf32, #tpu.memory_space<vmem_shared>> -> memref<513x32xf32, #tpu.memory_space<vmem_shared>>
      tpu.wait_indirect_dma semaphore(%arg13 : memref<!tpu.dma_semaphore, #tpu.memory_space<semaphore_mem>>) src(%dma_wait3A_615 : memref<513x32xf32, #tpu.memory_space<vmem_shared>>) dst(%dma_wait3A_609 : memref<128x32xf32, #tpu.memory_space<vmem>>)
      %dma_wait3A_616 = arith.constant 2 : i32
      %dma_wait3A_617 = arith.constant 256 : i32
      %dma_wait3A_618 = arith.constant 0 : i32
      %dma_wait3A_619 = tpu.memref_slice %arg10[%dma_wait3A_617, %dma_wait3A_618] : memref<1280x32xf32, #tpu.memory_space<vmem>> -> memref<128x32xf32, #tpu.memory_space<vmem>>
      %dma_wait3A_620 = arith.constant 0 : i32
      %dma_wait3A_621 = tpu.memref_slice %arg9[%dma_wait3A_616, %dma_wait3A_620] : memref<10x128xi32, #tpu.memory_space<vmem>> -> memref<1x128xi32, #tpu.memory_space<vmem>>
      %dma_wait3A_622 = tpu.memref_squeeze %dma_wait3A_621 : memref<1x128xi32, #tpu.memory_space<vmem>> -> memref<128xi32, #tpu.memory_space<vmem>>
      %dma_wait3A_623 = arith.constant 0 : i32
      %dma_wait3A_624 = arith.constant 0 : i32
      %dma_wait3A_625 = tpu.memref_slice %arg6[%dma_wait3A_623, %dma_wait3A_624] : memref<513x32xf32, #tpu.memory_space<vmem_shared>> -> memref<513x32xf32, #tpu.memory_space<vmem_shared>>
      tpu.wait_indirect_dma semaphore(%arg13 : memref<!tpu.dma_semaphore, #tpu.memory_space<semaphore_mem>>) src(%dma_wait3A_625 : memref<513x32xf32, #tpu.memory_space<vmem_shared>>) dst(%dma_wait3A_619 : memref<128x32xf32, #tpu.memory_space<vmem>>)
      %dma_wait3A_626 = arith.constant 3 : i32
      %dma_wait3A_627 = arith.constant 384 : i32
      %dma_wait3A_628 = arith.constant 0 : i32
      %dma_wait3A_629 = tpu.memref_slice %arg10[%dma_wait3A_627, %dma_wait3A_628] : memref<1280x32xf32, #tpu.memory_space<vmem>> -> memref<128x32xf32, #tpu.memory_space<vmem>>
      %dma_wait3A_630 = arith.constant 0 : i32
      %dma_wait3A_631 = tpu.memref_slice %arg9[%dma_wait3A_626, %dma_wait3A_630] : memref<10x128xi32, #tpu.memory_space<vmem>> -> memref<1x128xi32, #tpu.memory_space<vmem>>
      %dma_wait3A_632 = tpu.memref_squeeze %dma_wait3A_631 : memref<1x128xi32, #tpu.memory_space<vmem>> -> memref<128xi32, #tpu.memory_space<vmem>>
      %dma_wait3A_633 = arith.constant 0 : i32
      %dma_wait3A_634 = arith.constant 0 : i32
      %dma_wait3A_635 = tpu.memref_slice %arg6[%dma_wait3A_633, %dma_wait3A_634] : memref<513x32xf32, #tpu.memory_space<vmem_shared>> -> memref<513x32xf32, #tpu.memory_space<vmem_shared>>
      tpu.wait_indirect_dma semaphore(%arg13 : memref<!tpu.dma_semaphore, #tpu.memory_space<semaphore_mem>>) src(%dma_wait3A_635 : memref<513x32xf32, #tpu.memory_space<vmem_shared>>) dst(%dma_wait3A_629 : memref<128x32xf32, #tpu.memory_space<vmem>>)
      %dma_wait3A_636 = arith.constant 4 : i32
      %dma_wait3A_637 = arith.constant 512 : i32
      %dma_wait3A_638 = arith.constant 0 : i32
      %dma_wait3A_639 = tpu.memref_slice %arg10[%dma_wait3A_637, %dma_wait3A_638] : memref<1280x32xf32, #tpu.memory_space<vmem>> -> memref<128x32xf32, #tpu.memory_space<vmem>>
      %dma_wait3A_640 = arith.constant 0 : i32
      %dma_wait3A_641 = tpu.memref_slice %arg9[%dma_wait3A_636, %dma_wait3A_640] : memref<10x128xi32, #tpu.memory_space<vmem>> -> memref<1x128xi32, #tpu.memory_space<vmem>>
      %dma_wait3A_642 = tpu.memref_squeeze %dma_wait3A_641 : memref<1x128xi32, #tpu.memory_space<vmem>> -> memref<128xi32, #tpu.memory_space<vmem>>
      %dma_wait3A_643 = arith.constant 0 : i32
      %dma_wait3A_644 = arith.constant 0 : i32
      %dma_wait3A_645 = tpu.memref_slice %arg6[%dma_wait3A_643, %dma_wait3A_644] : memref<513x32xf32, #tpu.memory_space<vmem_shared>> -> memref<513x32xf32, #tpu.memory_space<vmem_shared>>
      tpu.wait_indirect_dma semaphore(%arg13 : memref<!tpu.dma_semaphore, #tpu.memory_space<semaphore_mem>>) src(%dma_wait3A_645 : memref<513x32xf32, #tpu.memory_space<vmem_shared>>) dst(%dma_wait3A_639 : memref<128x32xf32, #tpu.memory_space<vmem>>)
      %dma_wait3A_646 = arith.constant 5 : i32
      %dma_wait3A_647 = arith.constant 640 : i32
      %dma_wait3A_648 = arith.constant 0 : i32
      %dma_wait3A_649 = tpu.memref_slice %arg10[%dma_wait3A_647, %dma_wait3A_648] : memref<1280x32xf32, #tpu.memory_space<vmem>> -> memref<128x32xf32, #tpu.memory_space<vmem>>
      %dma_wait3A_650 = arith.constant 0 : i32
      %dma_wait3A_651 = tpu.memref_slice %arg9[%dma_wait3A_646, %dma_wait3A_650] : memref<10x128xi32, #tpu.memory_space<vmem>> -> memref<1x128xi32, #tpu.memory_space<vmem>>
      %dma_wait3A_652 = tpu.memref_squeeze %dma_wait3A_651 : memref<1x128xi32, #tpu.memory_space<vmem>> -> memref<128xi32, #tpu.memory_space<vmem>>
      %dma_wait3A_653 = arith.constant 0 : i32
      %dma_wait3A_654 = arith.constant 0 : i32
      %dma_wait3A_655 = tpu.memref_slice %arg6[%dma_wait3A_653, %dma_wait3A_654] : memref<513x32xf32, #tpu.memory_space<vmem_shared>> -> memref<513x32xf32, #tpu.memory_space<vmem_shared>>
      tpu.wait_indirect_dma semaphore(%arg13 : memref<!tpu.dma_semaphore, #tpu.memory_space<semaphore_mem>>) src(%dma_wait3A_655 : memref<513x32xf32, #tpu.memory_space<vmem_shared>>) dst(%dma_wait3A_649 : memref<128x32xf32, #tpu.memory_space<vmem>>)
      %dma_wait3A_656 = arith.constant 6 : i32
      %dma_wait3A_657 = arith.constant 768 : i32
      %dma_wait3A_658 = arith.constant 0 : i32
      %dma_wait3A_659 = tpu.memref_slice %arg10[%dma_wait3A_657, %dma_wait3A_658] : memref<1280x32xf32, #tpu.memory_space<vmem>> -> memref<128x32xf32, #tpu.memory_space<vmem>>
      %dma_wait3A_660 = arith.constant 0 : i32
      %dma_wait3A_661 = tpu.memref_slice %arg9[%dma_wait3A_656, %dma_wait3A_660] : memref<10x128xi32, #tpu.memory_space<vmem>> -> memref<1x128xi32, #tpu.memory_space<vmem>>
      %dma_wait3A_662 = tpu.memref_squeeze %dma_wait3A_661 : memref<1x128xi32, #tpu.memory_space<vmem>> -> memref<128xi32, #tpu.memory_space<vmem>>
      %dma_wait3A_663 = arith.constant 0 : i32
      %dma_wait3A_664 = arith.constant 0 : i32
      %dma_wait3A_665 = tpu.memref_slice %arg6[%dma_wait3A_663, %dma_wait3A_664] : memref<513x32xf32, #tpu.memory_space<vmem_shared>> -> memref<513x32xf32, #tpu.memory_space<vmem_shared>>
      tpu.wait_indirect_dma semaphore(%arg13 : memref<!tpu.dma_semaphore, #tpu.memory_space<semaphore_mem>>) src(%dma_wait3A_665 : memref<513x32xf32, #tpu.memory_space<vmem_shared>>) dst(%dma_wait3A_659 : memref<128x32xf32, #tpu.memory_space<vmem>>)
      %dma_wait3A_666 = arith.constant 7 : i32
      %dma_wait3A_667 = arith.constant 896 : i32
      %dma_wait3A_668 = arith.constant 0 : i32
      %dma_wait3A_669 = tpu.memref_slice %arg10[%dma_wait3A_667, %dma_wait3A_668] : memref<1280x32xf32, #tpu.memory_space<vmem>> -> memref<128x32xf32, #tpu.memory_space<vmem>>
      %dma_wait3A_670 = arith.constant 0 : i32
      %dma_wait3A_671 = tpu.memref_slice %arg9[%dma_wait3A_666, %dma_wait3A_670] : memref<10x128xi32, #tpu.memory_space<vmem>> -> memref<1x128xi32, #tpu.memory_space<vmem>>
      %dma_wait3A_672 = tpu.memref_squeeze %dma_wait3A_671 : memref<1x128xi32, #tpu.memory_space<vmem>> -> memref<128xi32, #tpu.memory_space<vmem>>
      %dma_wait3A_673 = arith.constant 0 : i32
      %dma_wait3A_674 = arith.constant 0 : i32
      %dma_wait3A_675 = tpu.memref_slice %arg6[%dma_wait3A_673, %dma_wait3A_674] : memref<513x32xf32, #tpu.memory_space<vmem_shared>> -> memref<513x32xf32, #tpu.memory_space<vmem_shared>>
      tpu.wait_indirect_dma semaphore(%arg13 : memref<!tpu.dma_semaphore, #tpu.memory_space<semaphore_mem>>) src(%dma_wait3A_675 : memref<513x32xf32, #tpu.memory_space<vmem_shared>>) dst(%dma_wait3A_669 : memref<128x32xf32, #tpu.memory_space<vmem>>)
      %dma_wait3A_676 = arith.constant 8 : i32
      %dma_wait3A_677 = arith.constant 1024 : i32
      %dma_wait3A_678 = arith.constant 0 : i32
      %dma_wait3A_679 = tpu.memref_slice %arg10[%dma_wait3A_677, %dma_wait3A_678] : memref<1280x32xf32, #tpu.memory_space<vmem>> -> memref<128x32xf32, #tpu.memory_space<vmem>>
      %dma_wait3A_680 = arith.constant 0 : i32
      %dma_wait3A_681 = tpu.memref_slice %arg9[%dma_wait3A_676, %dma_wait3A_680] : memref<10x128xi32, #tpu.memory_space<vmem>> -> memref<1x128xi32, #tpu.memory_space<vmem>>
      %dma_wait3A_682 = tpu.memref_squeeze %dma_wait3A_681 : memref<1x128xi32, #tpu.memory_space<vmem>> -> memref<128xi32, #tpu.memory_space<vmem>>
      %dma_wait3A_683 = arith.constant 0 : i32
      %dma_wait3A_684 = arith.constant 0 : i32
      %dma_wait3A_685 = tpu.memref_slice %arg6[%dma_wait3A_683, %dma_wait3A_684] : memref<513x32xf32, #tpu.memory_space<vmem_shared>> -> memref<513x32xf32, #tpu.memory_space<vmem_shared>>
      tpu.wait_indirect_dma semaphore(%arg13 : memref<!tpu.dma_semaphore, #tpu.memory_space<semaphore_mem>>) src(%dma_wait3A_685 : memref<513x32xf32, #tpu.memory_space<vmem_shared>>) dst(%dma_wait3A_679 : memref<128x32xf32, #tpu.memory_space<vmem>>)
      %dma_wait3A_686 = arith.constant 9 : i32
      %dma_wait3A_687 = arith.constant 1152 : i32
      %dma_wait3A_688 = arith.constant 0 : i32
      %dma_wait3A_689 = tpu.memref_slice %arg10[%dma_wait3A_687, %dma_wait3A_688] : memref<1280x32xf32, #tpu.memory_space<vmem>> -> memref<128x32xf32, #tpu.memory_space<vmem>>
      %dma_wait3A_690 = arith.constant 0 : i32
      %dma_wait3A_691 = tpu.memref_slice %arg9[%dma_wait3A_686, %dma_wait3A_690] : memref<10x128xi32, #tpu.memory_space<vmem>> -> memref<1x128xi32, #tpu.memory_space<vmem>>
      %dma_wait3A_692 = tpu.memref_squeeze %dma_wait3A_691 : memref<1x128xi32, #tpu.memory_space<vmem>> -> memref<128xi32, #tpu.memory_space<vmem>>
      %dma_wait3A_693 = arith.constant 0 : i32
      %dma_wait3A_694 = arith.constant 0 : i32
      %dma_wait3A_695 = tpu.memref_slice %arg6[%dma_wait3A_693, %dma_wait3A_694] : memref<513x32xf32, #tpu.memory_space<vmem_shared>> -> memref<513x32xf32, #tpu.memory_space<vmem_shared>>
      tpu.wait_indirect_dma semaphore(%arg13 : memref<!tpu.dma_semaphore, #tpu.memory_space<semaphore_mem>>) src(%dma_wait3A_695 : memref<513x32xf32, #tpu.memory_space<vmem_shared>>) dst(%dma_wait3A_689 : memref<128x32xf32, #tpu.memory_space<vmem>>)
      %mul3A_696 = arith.constant 40 : i32
      %mul3A_697 = arith.muli %mul3A_470, %mul3A_696 : i32
      %add3A_698 = arith.addi %mul3A_2, %mul3A_697 : i32
      %mul3A_699 = arith.constant 32 : i32
      %mul3A_700 = arith.muli %add3A_698, %mul3A_699 : i32
      %dma_start3A_701 = arith.constant 0 : i32
      %dma_start3A_702 = tpu.memref_slice %arg5[%mul3A_700, %dma_start3A_701] : memref<1638400x32xf32, #tpu.memory_space<hbm>> -> memref<1280x32xf32, #tpu.memory_space<hbm>>
      %dma_start3A_703 = arith.constant 0 : i32
      %dma_start3A_704 = tpu.memref_slice %arg5[%mul3A_700, %dma_start3A_703] : memref<1638400x32xf32, #tpu.memory_space<hbm>> -> memref<1280x32xf32, #tpu.memory_space<hbm>>
      tpu.enqueue_dma source(%arg10 : memref<1280x32xf32, #tpu.memory_space<vmem>>) target(%dma_start3A_704 : memref<1280x32xf32, #tpu.memory_space<hbm>>) target_semaphore(%arg14 : memref<!tpu.dma_semaphore, #tpu.memory_space<semaphore_mem>>)
      %sub3A_705 = arith.constant 1 : i32
      %sub3A_706 = arith.subi %mul3A_470, %sub3A_705 : i32
      %mul3A_707 = arith.constant 40 : i32
      %mul3A_708 = arith.muli %sub3A_706, %mul3A_707 : i32
      %add3A_709 = arith.addi %mul3A_2, %mul3A_708 : i32
      %mul3A_710 = arith.constant 32 : i32
      %mul3A_711 = arith.muli %add3A_709, %mul3A_710 : i32
      %dma_wait3A_712 = arith.constant 0 : i32
      %dma_wait3A_713 = tpu.memref_slice %arg5[%mul3A_711, %dma_wait3A_712] : memref<1638400x32xf32, #tpu.memory_space<hbm>> -> memref<1280x32xf32, #tpu.memory_space<hbm>>
      %dma_wait3A_714 = arith.constant 0 : i32
      %dma_wait3A_715 = tpu.memref_slice %arg5[%mul3A_711, %dma_wait3A_714] : memref<1638400x32xf32, #tpu.memory_space<hbm>> -> memref<1280x32xf32, #tpu.memory_space<hbm>>
      tpu.wait_dma2 semaphore(%arg15 : memref<!tpu.dma_semaphore, #tpu.memory_space<semaphore_mem>>) src(%arg11 : memref<1280x32xf32, #tpu.memory_space<vmem>>) dst(%dma_wait3A_715 : memref<1280x32xf32, #tpu.memory_space<hbm>>)
      %add3A_716 = arith.constant 1 : i32
      %add3A_717 = arith.addi %mul3A_470, %add3A_716 : i32
      %mul3A_718 = arith.constant 40 : i32
      %mul3A_719 = arith.muli %add3A_717, %mul3A_718 : i32
      %add3A_720 = arith.addi %mul3A_2, %mul3A_719 : i32
      "tpu.region"() ({
        %run_scoped3A = tpu.sem_alloc : memref<!tpu.dma_semaphore, #tpu.memory_space<semaphore_mem>>
        %dma_start3A_944 = tpu.memref_slice %arg2[%add3A_720] : memref<51200xi32, #tpu.memory_space<hbm>> -> memref<40xi32, #tpu.memory_space<hbm>>
        %dma_start3A_945 = tpu.memref_slice %arg2[%add3A_720] : memref<51200xi32, #tpu.memory_space<hbm>> -> memref<40xi32, #tpu.memory_space<hbm>>
        tpu.enqueue_dma source(%dma_start3A_945 : memref<40xi32, #tpu.memory_space<hbm>>) target(%arg7 : memref<40xi32, #tpu.memory_space<vmem>>) target_semaphore(%run_scoped3A : memref<!tpu.dma_semaphore, #tpu.memory_space<semaphore_mem>>)
        %dma_wait3A_946 = tpu.memref_slice %arg2[%add3A_720] : memref<51200xi32, #tpu.memory_space<hbm>> -> memref<40xi32, #tpu.memory_space<hbm>>
        %dma_wait3A_947 = tpu.memref_slice %arg2[%add3A_720] : memref<51200xi32, #tpu.memory_space<hbm>> -> memref<40xi32, #tpu.memory_space<hbm>>
        tpu.wait_dma2 semaphore(%run_scoped3A : memref<!tpu.dma_semaphore, #tpu.memory_space<semaphore_mem>>) src(%dma_wait3A_947 : memref<40xi32, #tpu.memory_space<hbm>>) dst(%arg7 : memref<40xi32, #tpu.memory_space<vmem>>)
        tpu.yield
      }) : () -> ()
      %dma_start3A_721 = arith.constant 0 : i32
      %dma_start3A_722 = arith.constant 0 : i32
      %dma_start3A_723 = tpu.memref_slice %arg3[%dma_start3A_721, %dma_start3A_722] : memref<100000x32xi32, #tpu.memory_space<hbm>> -> memref<100000x32xi32, #tpu.memory_space<hbm>>
      tpu.enqueue_indirect_dma source(%dma_start3A_723 : memref<100000x32xi32, #tpu.memory_space<hbm>>) target(%arg8 : memref<40x32xi32, #tpu.memory_space<vmem>>) offsets(%arg7 : memref<40xi32, #tpu.memory_space<vmem>>) semaphore(%arg12 : memref<!tpu.dma_semaphore, #tpu.memory_space<semaphore_mem>>)
      %dma_wait3A_724 = arith.constant 0 : i32
      %dma_wait3A_725 = arith.constant 0 : i32
      %dma_wait3A_726 = tpu.memref_slice %arg3[%dma_wait3A_724, %dma_wait3A_725] : memref<100000x32xi32, #tpu.memory_space<hbm>> -> memref<100000x32xi32, #tpu.memory_space<hbm>>
      tpu.wait_indirect_dma semaphore(%arg12 : memref<!tpu.dma_semaphore, #tpu.memory_space<semaphore_mem>>) src(%dma_wait3A_726 : memref<100000x32xi32, #tpu.memory_space<hbm>>) dst(%arg8 : memref<40x32xi32, #tpu.memory_space<vmem>>)
      %scan3A_727 = arith.constant 0 : i32
      %scan3A_728 = arith.constant 0 : i32
      %scan3A_729 = arith.constant 80 : i32
      %scan3A_730 = arith.addi %scan3A_728, %scan3A_729 : i32
      %scan3A_731 = arith.constant 1 : i32
      scf.for %scan3A_944 = %scan3A_728 to %scan3A_730 step %scan3A_731  : i32 {
        %shift_right_arithmetic3A = arith.constant 1 : i32
        %shift_right_arithmetic3A_945 = arith.shrsi %scan3A_944, %shift_right_arithmetic3A : i32
        %and3A = arith.constant 1 : i32
        %and3A_946 = arith.andi %scan3A_944, %and3A : i32
        %shift_left3A = arith.constant 4 : i32
        %shift_left3A_947 = arith.shli %and3A_946, %shift_left3A : i32
        %get3A = arith.index_cast %shift_right_arithmetic3A_945 : i32 to index
        %get3A_948 = arith.index_cast %shift_left3A_947 : i32 to index
        %get3A_949 = tpu.vector_load %arg8[%get3A, %get3A_948] {strides = array<i32>} : memref<40x32xi32, #tpu.memory_space<vmem>>, vector<1x16xi32>,
        %get3A_950 = vector.shape_cast %get3A_949 : vector<1x16xi32> to vector<16xi32>
        %shift_right_arithmetic3A_951 = arith.constant 3 : i32
        %shift_right_arithmetic3A_952 = arith.shrsi %scan3A_944, %shift_right_arithmetic3A_951 : i32
        %and3A_953 = arith.constant 7 : i32
        %and3A_954 = arith.andi %scan3A_944, %and3A_953 : i32
        %shift_left3A_955 = arith.constant 4 : i32
        %shift_left3A_956 = arith.shli %and3A_954, %shift_left3A_955 : i32
        %swap3A = arith.index_cast %shift_right_arithmetic3A_952 : i32 to index
        %swap3A_957 = arith.index_cast %shift_left3A_956 : i32 to index
        %swap3A_958 = tpu.vector_load %arg9[%swap3A, %swap3A_957] {strides = array<i32>} : memref<10x128xi32, #tpu.memory_space<vmem>>, vector<1x16xi32>,
        %swap3A_959 = vector.shape_cast %swap3A_958 : vector<1x16xi32> to vector<16xi32>
        %swap3A_960 = vector.shape_cast %get3A_950 : vector<16xi32> to vector<1x16xi32>
        tpu.vector_store %arg9[%swap3A, %swap3A_957], %swap3A_960 {strides = array<i32>} : memref<10x128xi32, #tpu.memory_space<vmem>>, vector<1x16xi32>,
      }
      %scan3A_732 = arith.constant 80 : i32
      %dma_start3A_733 = arith.constant 0 : i32
      %dma_start3A_734 = arith.constant 0 : i32
      %dma_start3A_735 = arith.constant 0 : i32
      %dma_start3A_736 = tpu.memref_slice %arg11[%dma_start3A_734, %dma_start3A_735] : memref<1280x32xf32, #tpu.memory_space<vmem>> -> memref<128x32xf32, #tpu.memory_space<vmem>>
      %dma_start3A_737 = arith.constant 0 : i32
      %dma_start3A_738 = tpu.memref_slice %arg9[%dma_start3A_733, %dma_start3A_737] : memref<10x128xi32, #tpu.memory_space<vmem>> -> memref<1x128xi32, #tpu.memory_space<vmem>>
      %dma_start3A_739 = tpu.memref_squeeze %dma_start3A_738 : memref<1x128xi32, #tpu.memory_space<vmem>> -> memref<128xi32, #tpu.memory_space<vmem>>
      %dma_start3A_740 = arith.constant 0 : i32
      %dma_start3A_741 = arith.constant 0 : i32
      %dma_start3A_742 = tpu.memref_slice %arg6[%dma_start3A_740, %dma_start3A_741] : memref<513x32xf32, #tpu.memory_space<vmem_shared>> -> memref<513x32xf32, #tpu.memory_space<vmem_shared>>
      tpu.enqueue_indirect_dma source(%dma_start3A_742 : memref<513x32xf32, #tpu.memory_space<vmem_shared>>) target(%dma_start3A_736 : memref<128x32xf32, #tpu.memory_space<vmem>>) offsets(%dma_start3A_739 : memref<128xi32, #tpu.memory_space<vmem>>) semaphore(%arg13 : memref<!tpu.dma_semaphore, #tpu.memory_space<semaphore_mem>>)
      %dma_start3A_743 = arith.constant 1 : i32
      %dma_start3A_744 = arith.constant 128 : i32
      %dma_start3A_745 = arith.constant 0 : i32
      %dma_start3A_746 = tpu.memref_slice %arg11[%dma_start3A_744, %dma_start3A_745] : memref<1280x32xf32, #tpu.memory_space<vmem>> -> memref<128x32xf32, #tpu.memory_space<vmem>>
      %dma_start3A_747 = arith.constant 0 : i32
      %dma_start3A_748 = tpu.memref_slice %arg9[%dma_start3A_743, %dma_start3A_747] : memref<10x128xi32, #tpu.memory_space<vmem>> -> memref<1x128xi32, #tpu.memory_space<vmem>>
      %dma_start3A_749 = tpu.memref_squeeze %dma_start3A_748 : memref<1x128xi32, #tpu.memory_space<vmem>> -> memref<128xi32, #tpu.memory_space<vmem>>
      %dma_start3A_750 = arith.constant 0 : i32
      %dma_start3A_751 = arith.constant 0 : i32
      %dma_start3A_752 = tpu.memref_slice %arg6[%dma_start3A_750, %dma_start3A_751] : memref<513x32xf32, #tpu.memory_space<vmem_shared>> -> memref<513x32xf32, #tpu.memory_space<vmem_shared>>
      tpu.enqueue_indirect_dma source(%dma_start3A_752 : memref<513x32xf32, #tpu.memory_space<vmem_shared>>) target(%dma_start3A_746 : memref<128x32xf32, #tpu.memory_space<vmem>>) offsets(%dma_start3A_749 : memref<128xi32, #tpu.memory_space<vmem>>) semaphore(%arg13 : memref<!tpu.dma_semaphore, #tpu.memory_space<semaphore_mem>>)
      %dma_start3A_753 = arith.constant 2 : i32
      %dma_start3A_754 = arith.constant 256 : i32
      %dma_start3A_755 = arith.constant 0 : i32
      %dma_start3A_756 = tpu.memref_slice %arg11[%dma_start3A_754, %dma_start3A_755] : memref<1280x32xf32, #tpu.memory_space<vmem>> -> memref<128x32xf32, #tpu.memory_space<vmem>>
      %dma_start3A_757 = arith.constant 0 : i32
      %dma_start3A_758 = tpu.memref_slice %arg9[%dma_start3A_753, %dma_start3A_757] : memref<10x128xi32, #tpu.memory_space<vmem>> -> memref<1x128xi32, #tpu.memory_space<vmem>>
      %dma_start3A_759 = tpu.memref_squeeze %dma_start3A_758 : memref<1x128xi32, #tpu.memory_space<vmem>> -> memref<128xi32, #tpu.memory_space<vmem>>
      %dma_start3A_760 = arith.constant 0 : i32
      %dma_start3A_761 = arith.constant 0 : i32
      %dma_start3A_762 = tpu.memref_slice %arg6[%dma_start3A_760, %dma_start3A_761] : memref<513x32xf32, #tpu.memory_space<vmem_shared>> -> memref<513x32xf32, #tpu.memory_space<vmem_shared>>
      tpu.enqueue_indirect_dma source(%dma_start3A_762 : memref<513x32xf32, #tpu.memory_space<vmem_shared>>) target(%dma_start3A_756 : memref<128x32xf32, #tpu.memory_space<vmem>>) offsets(%dma_start3A_759 : memref<128xi32, #tpu.memory_space<vmem>>) semaphore(%arg13 : memref<!tpu.dma_semaphore, #tpu.memory_space<semaphore_mem>>)
      %dma_start3A_763 = arith.constant 3 : i32
      %dma_start3A_764 = arith.constant 384 : i32
      %dma_start3A_765 = arith.constant 0 : i32
      %dma_start3A_766 = tpu.memref_slice %arg11[%dma_start3A_764, %dma_start3A_765] : memref<1280x32xf32, #tpu.memory_space<vmem>> -> memref<128x32xf32, #tpu.memory_space<vmem>>
      %dma_start3A_767 = arith.constant 0 : i32
      %dma_start3A_768 = tpu.memref_slice %arg9[%dma_start3A_763, %dma_start3A_767] : memref<10x128xi32, #tpu.memory_space<vmem>> -> memref<1x128xi32, #tpu.memory_space<vmem>>
      %dma_start3A_769 = tpu.memref_squeeze %dma_start3A_768 : memref<1x128xi32, #tpu.memory_space<vmem>> -> memref<128xi32, #tpu.memory_space<vmem>>
      %dma_start3A_770 = arith.constant 0 : i32
      %dma_start3A_771 = arith.constant 0 : i32
      %dma_start3A_772 = tpu.memref_slice %arg6[%dma_start3A_770, %dma_start3A_771] : memref<513x32xf32, #tpu.memory_space<vmem_shared>> -> memref<513x32xf32, #tpu.memory_space<vmem_shared>>
      tpu.enqueue_indirect_dma source(%dma_start3A_772 : memref<513x32xf32, #tpu.memory_space<vmem_shared>>) target(%dma_start3A_766 : memref<128x32xf32, #tpu.memory_space<vmem>>) offsets(%dma_start3A_769 : memref<128xi32, #tpu.memory_space<vmem>>) semaphore(%arg13 : memref<!tpu.dma_semaphore, #tpu.memory_space<semaphore_mem>>)
      %dma_start3A_773 = arith.constant 4 : i32
      %dma_start3A_774 = arith.constant 512 : i32
      %dma_start3A_775 = arith.constant 0 : i32
      %dma_start3A_776 = tpu.memref_slice %arg11[%dma_start3A_774, %dma_start3A_775] : memref<1280x32xf32, #tpu.memory_space<vmem>> -> memref<128x32xf32, #tpu.memory_space<vmem>>
      %dma_start3A_777 = arith.constant 0 : i32
      %dma_start3A_778 = tpu.memref_slice %arg9[%dma_start3A_773, %dma_start3A_777] : memref<10x128xi32, #tpu.memory_space<vmem>> -> memref<1x128xi32, #tpu.memory_space<vmem>>
      %dma_start3A_779 = tpu.memref_squeeze %dma_start3A_778 : memref<1x128xi32, #tpu.memory_space<vmem>> -> memref<128xi32, #tpu.memory_space<vmem>>
      %dma_start3A_780 = arith.constant 0 : i32
      %dma_start3A_781 = arith.constant 0 : i32
      %dma_start3A_782 = tpu.memref_slice %arg6[%dma_start3A_780, %dma_start3A_781] : memref<513x32xf32, #tpu.memory_space<vmem_shared>> -> memref<513x32xf32, #tpu.memory_space<vmem_shared>>
      tpu.enqueue_indirect_dma source(%dma_start3A_782 : memref<513x32xf32, #tpu.memory_space<vmem_shared>>) target(%dma_start3A_776 : memref<128x32xf32, #tpu.memory_space<vmem>>) offsets(%dma_start3A_779 : memref<128xi32, #tpu.memory_space<vmem>>) semaphore(%arg13 : memref<!tpu.dma_semaphore, #tpu.memory_space<semaphore_mem>>)
      %dma_start3A_783 = arith.constant 5 : i32
      %dma_start3A_784 = arith.constant 640 : i32
      %dma_start3A_785 = arith.constant 0 : i32
      %dma_start3A_786 = tpu.memref_slice %arg11[%dma_start3A_784, %dma_start3A_785] : memref<1280x32xf32, #tpu.memory_space<vmem>> -> memref<128x32xf32, #tpu.memory_space<vmem>>
      %dma_start3A_787 = arith.constant 0 : i32
      %dma_start3A_788 = tpu.memref_slice %arg9[%dma_start3A_783, %dma_start3A_787] : memref<10x128xi32, #tpu.memory_space<vmem>> -> memref<1x128xi32, #tpu.memory_space<vmem>>
      %dma_start3A_789 = tpu.memref_squeeze %dma_start3A_788 : memref<1x128xi32, #tpu.memory_space<vmem>> -> memref<128xi32, #tpu.memory_space<vmem>>
      %dma_start3A_790 = arith.constant 0 : i32
      %dma_start3A_791 = arith.constant 0 : i32
      %dma_start3A_792 = tpu.memref_slice %arg6[%dma_start3A_790, %dma_start3A_791] : memref<513x32xf32, #tpu.memory_space<vmem_shared>> -> memref<513x32xf32, #tpu.memory_space<vmem_shared>>
      tpu.enqueue_indirect_dma source(%dma_start3A_792 : memref<513x32xf32, #tpu.memory_space<vmem_shared>>) target(%dma_start3A_786 : memref<128x32xf32, #tpu.memory_space<vmem>>) offsets(%dma_start3A_789 : memref<128xi32, #tpu.memory_space<vmem>>) semaphore(%arg13 : memref<!tpu.dma_semaphore, #tpu.memory_space<semaphore_mem>>)
      %dma_start3A_793 = arith.constant 6 : i32
      %dma_start3A_794 = arith.constant 768 : i32
      %dma_start3A_795 = arith.constant 0 : i32
      %dma_start3A_796 = tpu.memref_slice %arg11[%dma_start3A_794, %dma_start3A_795] : memref<1280x32xf32, #tpu.memory_space<vmem>> -> memref<128x32xf32, #tpu.memory_space<vmem>>
      %dma_start3A_797 = arith.constant 0 : i32
      %dma_start3A_798 = tpu.memref_slice %arg9[%dma_start3A_793, %dma_start3A_797] : memref<10x128xi32, #tpu.memory_space<vmem>> -> memref<1x128xi32, #tpu.memory_space<vmem>>
      %dma_start3A_799 = tpu.memref_squeeze %dma_start3A_798 : memref<1x128xi32, #tpu.memory_space<vmem>> -> memref<128xi32, #tpu.memory_space<vmem>>
      %dma_start3A_800 = arith.constant 0 : i32
      %dma_start3A_801 = arith.constant 0 : i32
      %dma_start3A_802 = tpu.memref_slice %arg6[%dma_start3A_800, %dma_start3A_801] : memref<513x32xf32, #tpu.memory_space<vmem_shared>> -> memref<513x32xf32, #tpu.memory_space<vmem_shared>>
      tpu.enqueue_indirect_dma source(%dma_start3A_802 : memref<513x32xf32, #tpu.memory_space<vmem_shared>>) target(%dma_start3A_796 : memref<128x32xf32, #tpu.memory_space<vmem>>) offsets(%dma_start3A_799 : memref<128xi32, #tpu.memory_space<vmem>>) semaphore(%arg13 : memref<!tpu.dma_semaphore, #tpu.memory_space<semaphore_mem>>)
      %dma_start3A_803 = arith.constant 7 : i32
      %dma_start3A_804 = arith.constant 896 : i32
      %dma_start3A_805 = arith.constant 0 : i32
      %dma_start3A_806 = tpu.memref_slice %arg11[%dma_start3A_804, %dma_start3A_805] : memref<1280x32xf32, #tpu.memory_space<vmem>> -> memref<128x32xf32, #tpu.memory_space<vmem>>
      %dma_start3A_807 = arith.constant 0 : i32
      %dma_start3A_808 = tpu.memref_slice %arg9[%dma_start3A_803, %dma_start3A_807] : memref<10x128xi32, #tpu.memory_space<vmem>> -> memref<1x128xi32, #tpu.memory_space<vmem>>
      %dma_start3A_809 = tpu.memref_squeeze %dma_start3A_808 : memref<1x128xi32, #tpu.memory_space<vmem>> -> memref<128xi32, #tpu.memory_space<vmem>>
      %dma_start3A_810 = arith.constant 0 : i32
      %dma_start3A_811 = arith.constant 0 : i32
      %dma_start3A_812 = tpu.memref_slice %arg6[%dma_start3A_810, %dma_start3A_811] : memref<513x32xf32, #tpu.memory_space<vmem_shared>> -> memref<513x32xf32, #tpu.memory_space<vmem_shared>>
      tpu.enqueue_indirect_dma source(%dma_start3A_812 : memref<513x32xf32, #tpu.memory_space<vmem_shared>>) target(%dma_start3A_806 : memref<128x32xf32, #tpu.memory_space<vmem>>) offsets(%dma_start3A_809 : memref<128xi32, #tpu.memory_space<vmem>>) semaphore(%arg13 : memref<!tpu.dma_semaphore, #tpu.memory_space<semaphore_mem>>)
      %dma_start3A_813 = arith.constant 8 : i32
      %dma_start3A_814 = arith.constant 1024 : i32
      %dma_start3A_815 = arith.constant 0 : i32
      %dma_start3A_816 = tpu.memref_slice %arg11[%dma_start3A_814, %dma_start3A_815] : memref<1280x32xf32, #tpu.memory_space<vmem>> -> memref<128x32xf32, #tpu.memory_space<vmem>>
      %dma_start3A_817 = arith.constant 0 : i32
      %dma_start3A_818 = tpu.memref_slice %arg9[%dma_start3A_813, %dma_start3A_817] : memref<10x128xi32, #tpu.memory_space<vmem>> -> memref<1x128xi32, #tpu.memory_space<vmem>>
      %dma_start3A_819 = tpu.memref_squeeze %dma_start3A_818 : memref<1x128xi32, #tpu.memory_space<vmem>> -> memref<128xi32, #tpu.memory_space<vmem>>
      %dma_start3A_820 = arith.constant 0 : i32
      %dma_start3A_821 = arith.constant 0 : i32
      %dma_start3A_822 = tpu.memref_slice %arg6[%dma_start3A_820, %dma_start3A_821] : memref<513x32xf32, #tpu.memory_space<vmem_shared>> -> memref<513x32xf32, #tpu.memory_space<vmem_shared>>
      tpu.enqueue_indirect_dma source(%dma_start3A_822 : memref<513x32xf32, #tpu.memory_space<vmem_shared>>) target(%dma_start3A_816 : memref<128x32xf32, #tpu.memory_space<vmem>>) offsets(%dma_start3A_819 : memref<128xi32, #tpu.memory_space<vmem>>) semaphore(%arg13 : memref<!tpu.dma_semaphore, #tpu.memory_space<semaphore_mem>>)
      %dma_start3A_823 = arith.constant 9 : i32
      %dma_start3A_824 = arith.constant 1152 : i32
      %dma_start3A_825 = arith.constant 0 : i32
      %dma_start3A_826 = tpu.memref_slice %arg11[%dma_start3A_824, %dma_start3A_825] : memref<1280x32xf32, #tpu.memory_space<vmem>> -> memref<128x32xf32, #tpu.memory_space<vmem>>
      %dma_start3A_827 = arith.constant 0 : i32
      %dma_start3A_828 = tpu.memref_slice %arg9[%dma_start3A_823, %dma_start3A_827] : memref<10x128xi32, #tpu.memory_space<vmem>> -> memref<1x128xi32, #tpu.memory_space<vmem>>
      %dma_start3A_829 = tpu.memref_squeeze %dma_start3A_828 : memref<1x128xi32, #tpu.memory_space<vmem>> -> memref<128xi32, #tpu.memory_space<vmem>>
      %dma_start3A_830 = arith.constant 0 : i32
      %dma_start3A_831 = arith.constant 0 : i32
      %dma_start3A_832 = tpu.memref_slice %arg6[%dma_start3A_830, %dma_start3A_831] : memref<513x32xf32, #tpu.memory_space<vmem_shared>> -> memref<513x32xf32, #tpu.memory_space<vmem_shared>>
      tpu.enqueue_indirect_dma source(%dma_start3A_832 : memref<513x32xf32, #tpu.memory_space<vmem_shared>>) target(%dma_start3A_826 : memref<128x32xf32, #tpu.memory_space<vmem>>) offsets(%dma_start3A_829 : memref<128xi32, #tpu.memory_space<vmem>>) semaphore(%arg13 : memref<!tpu.dma_semaphore, #tpu.memory_space<semaphore_mem>>)
      %dma_wait3A_833 = arith.constant 0 : i32
      %dma_wait3A_834 = arith.constant 0 : i32
      %dma_wait3A_835 = arith.constant 0 : i32
      %dma_wait3A_836 = tpu.memref_slice %arg11[%dma_wait3A_834, %dma_wait3A_835] : memref<1280x32xf32, #tpu.memory_space<vmem>> -> memref<128x32xf32, #tpu.memory_space<vmem>>
      %dma_wait3A_837 = arith.constant 0 : i32
      %dma_wait3A_838 = tpu.memref_slice %arg9[%dma_wait3A_833, %dma_wait3A_837] : memref<10x128xi32, #tpu.memory_space<vmem>> -> memref<1x128xi32, #tpu.memory_space<vmem>>
      %dma_wait3A_839 = tpu.memref_squeeze %dma_wait3A_838 : memref<1x128xi32, #tpu.memory_space<vmem>> -> memref<128xi32, #tpu.memory_space<vmem>>
      %dma_wait3A_840 = arith.constant 0 : i32
      %dma_wait3A_841 = arith.constant 0 : i32
      %dma_wait3A_842 = tpu.memref_slice %arg6[%dma_wait3A_840, %dma_wait3A_841] : memref<513x32xf32, #tpu.memory_space<vmem_shared>> -> memref<513x32xf32, #tpu.memory_space<vmem_shared>>
      tpu.wait_indirect_dma semaphore(%arg13 : memref<!tpu.dma_semaphore, #tpu.memory_space<semaphore_mem>>) src(%dma_wait3A_842 : memref<513x32xf32, #tpu.memory_space<vmem_shared>>) dst(%dma_wait3A_836 : memref<128x32xf32, #tpu.memory_space<vmem>>)
      %dma_wait3A_843 = arith.constant 1 : i32
      %dma_wait3A_844 = arith.constant 128 : i32
      %dma_wait3A_845 = arith.constant 0 : i32
      %dma_wait3A_846 = tpu.memref_slice %arg11[%dma_wait3A_844, %dma_wait3A_845] : memref<1280x32xf32, #tpu.memory_space<vmem>> -> memref<128x32xf32, #tpu.memory_space<vmem>>
      %dma_wait3A_847 = arith.constant 0 : i32
      %dma_wait3A_848 = tpu.memref_slice %arg9[%dma_wait3A_843, %dma_wait3A_847] : memref<10x128xi32, #tpu.memory_space<vmem>> -> memref<1x128xi32, #tpu.memory_space<vmem>>
      %dma_wait3A_849 = tpu.memref_squeeze %dma_wait3A_848 : memref<1x128xi32, #tpu.memory_space<vmem>> -> memref<128xi32, #tpu.memory_space<vmem>>
      %dma_wait3A_850 = arith.constant 0 : i32
      %dma_wait3A_851 = arith.constant 0 : i32
      %dma_wait3A_852 = tpu.memref_slice %arg6[%dma_wait3A_850, %dma_wait3A_851] : memref<513x32xf32, #tpu.memory_space<vmem_shared>> -> memref<513x32xf32, #tpu.memory_space<vmem_shared>>
      tpu.wait_indirect_dma semaphore(%arg13 : memref<!tpu.dma_semaphore, #tpu.memory_space<semaphore_mem>>) src(%dma_wait3A_852 : memref<513x32xf32, #tpu.memory_space<vmem_shared>>) dst(%dma_wait3A_846 : memref<128x32xf32, #tpu.memory_space<vmem>>)
      %dma_wait3A_853 = arith.constant 2 : i32
      %dma_wait3A_854 = arith.constant 256 : i32
      %dma_wait3A_855 = arith.constant 0 : i32
      %dma_wait3A_856 = tpu.memref_slice %arg11[%dma_wait3A_854, %dma_wait3A_855] : memref<1280x32xf32, #tpu.memory_space<vmem>> -> memref<128x32xf32, #tpu.memory_space<vmem>>
      %dma_wait3A_857 = arith.constant 0 : i32
      %dma_wait3A_858 = tpu.memref_slice %arg9[%dma_wait3A_853, %dma_wait3A_857] : memref<10x128xi32, #tpu.memory_space<vmem>> -> memref<1x128xi32, #tpu.memory_space<vmem>>
      %dma_wait3A_859 = tpu.memref_squeeze %dma_wait3A_858 : memref<1x128xi32, #tpu.memory_space<vmem>> -> memref<128xi32, #tpu.memory_space<vmem>>
      %dma_wait3A_860 = arith.constant 0 : i32
      %dma_wait3A_861 = arith.constant 0 : i32
      %dma_wait3A_862 = tpu.memref_slice %arg6[%dma_wait3A_860, %dma_wait3A_861] : memref<513x32xf32, #tpu.memory_space<vmem_shared>> -> memref<513x32xf32, #tpu.memory_space<vmem_shared>>
      tpu.wait_indirect_dma semaphore(%arg13 : memref<!tpu.dma_semaphore, #tpu.memory_space<semaphore_mem>>) src(%dma_wait3A_862 : memref<513x32xf32, #tpu.memory_space<vmem_shared>>) dst(%dma_wait3A_856 : memref<128x32xf32, #tpu.memory_space<vmem>>)
      %dma_wait3A_863 = arith.constant 3 : i32
      %dma_wait3A_864 = arith.constant 384 : i32
      %dma_wait3A_865 = arith.constant 0 : i32
      %dma_wait3A_866 = tpu.memref_slice %arg11[%dma_wait3A_864, %dma_wait3A_865] : memref<1280x32xf32, #tpu.memory_space<vmem>> -> memref<128x32xf32, #tpu.memory_space<vmem>>
      %dma_wait3A_867 = arith.constant 0 : i32
      %dma_wait3A_868 = tpu.memref_slice %arg9[%dma_wait3A_863, %dma_wait3A_867] : memref<10x128xi32, #tpu.memory_space<vmem>> -> memref<1x128xi32, #tpu.memory_space<vmem>>
      %dma_wait3A_869 = tpu.memref_squeeze %dma_wait3A_868 : memref<1x128xi32, #tpu.memory_space<vmem>> -> memref<128xi32, #tpu.memory_space<vmem>>
      %dma_wait3A_870 = arith.constant 0 : i32
      %dma_wait3A_871 = arith.constant 0 : i32
      %dma_wait3A_872 = tpu.memref_slice %arg6[%dma_wait3A_870, %dma_wait3A_871] : memref<513x32xf32, #tpu.memory_space<vmem_shared>> -> memref<513x32xf32, #tpu.memory_space<vmem_shared>>
      tpu.wait_indirect_dma semaphore(%arg13 : memref<!tpu.dma_semaphore, #tpu.memory_space<semaphore_mem>>) src(%dma_wait3A_872 : memref<513x32xf32, #tpu.memory_space<vmem_shared>>) dst(%dma_wait3A_866 : memref<128x32xf32, #tpu.memory_space<vmem>>)
      %dma_wait3A_873 = arith.constant 4 : i32
      %dma_wait3A_874 = arith.constant 512 : i32
      %dma_wait3A_875 = arith.constant 0 : i32
      %dma_wait3A_876 = tpu.memref_slice %arg11[%dma_wait3A_874, %dma_wait3A_875] : memref<1280x32xf32, #tpu.memory_space<vmem>> -> memref<128x32xf32, #tpu.memory_space<vmem>>
      %dma_wait3A_877 = arith.constant 0 : i32
      %dma_wait3A_878 = tpu.memref_slice %arg9[%dma_wait3A_873, %dma_wait3A_877] : memref<10x128xi32, #tpu.memory_space<vmem>> -> memref<1x128xi32, #tpu.memory_space<vmem>>
      %dma_wait3A_879 = tpu.memref_squeeze %dma_wait3A_878 : memref<1x128xi32, #tpu.memory_space<vmem>> -> memref<128xi32, #tpu.memory_space<vmem>>
      %dma_wait3A_880 = arith.constant 0 : i32
      %dma_wait3A_881 = arith.constant 0 : i32
      %dma_wait3A_882 = tpu.memref_slice %arg6[%dma_wait3A_880, %dma_wait3A_881] : memref<513x32xf32, #tpu.memory_space<vmem_shared>> -> memref<513x32xf32, #tpu.memory_space<vmem_shared>>
      tpu.wait_indirect_dma semaphore(%arg13 : memref<!tpu.dma_semaphore, #tpu.memory_space<semaphore_mem>>) src(%dma_wait3A_882 : memref<513x32xf32, #tpu.memory_space<vmem_shared>>) dst(%dma_wait3A_876 : memref<128x32xf32, #tpu.memory_space<vmem>>)
      %dma_wait3A_883 = arith.constant 5 : i32
      %dma_wait3A_884 = arith.constant 640 : i32
      %dma_wait3A_885 = arith.constant 0 : i32
      %dma_wait3A_886 = tpu.memref_slice %arg11[%dma_wait3A_884, %dma_wait3A_885] : memref<1280x32xf32, #tpu.memory_space<vmem>> -> memref<128x32xf32, #tpu.memory_space<vmem>>
      %dma_wait3A_887 = arith.constant 0 : i32
      %dma_wait3A_888 = tpu.memref_slice %arg9[%dma_wait3A_883, %dma_wait3A_887] : memref<10x128xi32, #tpu.memory_space<vmem>> -> memref<1x128xi32, #tpu.memory_space<vmem>>
      %dma_wait3A_889 = tpu.memref_squeeze %dma_wait3A_888 : memref<1x128xi32, #tpu.memory_space<vmem>> -> memref<128xi32, #tpu.memory_space<vmem>>
      %dma_wait3A_890 = arith.constant 0 : i32
      %dma_wait3A_891 = arith.constant 0 : i32
      %dma_wait3A_892 = tpu.memref_slice %arg6[%dma_wait3A_890, %dma_wait3A_891] : memref<513x32xf32, #tpu.memory_space<vmem_shared>> -> memref<513x32xf32, #tpu.memory_space<vmem_shared>>
      tpu.wait_indirect_dma semaphore(%arg13 : memref<!tpu.dma_semaphore, #tpu.memory_space<semaphore_mem>>) src(%dma_wait3A_892 : memref<513x32xf32, #tpu.memory_space<vmem_shared>>) dst(%dma_wait3A_886 : memref<128x32xf32, #tpu.memory_space<vmem>>)
      %dma_wait3A_893 = arith.constant 6 : i32
      %dma_wait3A_894 = arith.constant 768 : i32
      %dma_wait3A_895 = arith.constant 0 : i32
      %dma_wait3A_896 = tpu.memref_slice %arg11[%dma_wait3A_894, %dma_wait3A_895] : memref<1280x32xf32, #tpu.memory_space<vmem>> -> memref<128x32xf32, #tpu.memory_space<vmem>>
      %dma_wait3A_897 = arith.constant 0 : i32
      %dma_wait3A_898 = tpu.memref_slice %arg9[%dma_wait3A_893, %dma_wait3A_897] : memref<10x128xi32, #tpu.memory_space<vmem>> -> memref<1x128xi32, #tpu.memory_space<vmem>>
      %dma_wait3A_899 = tpu.memref_squeeze %dma_wait3A_898 : memref<1x128xi32, #tpu.memory_space<vmem>> -> memref<128xi32, #tpu.memory_space<vmem>>
      %dma_wait3A_900 = arith.constant 0 : i32
      %dma_wait3A_901 = arith.constant 0 : i32
      %dma_wait3A_902 = tpu.memref_slice %arg6[%dma_wait3A_900, %dma_wait3A_901] : memref<513x32xf32, #tpu.memory_space<vmem_shared>> -> memref<513x32xf32, #tpu.memory_space<vmem_shared>>
      tpu.wait_indirect_dma semaphore(%arg13 : memref<!tpu.dma_semaphore, #tpu.memory_space<semaphore_mem>>) src(%dma_wait3A_902 : memref<513x32xf32, #tpu.memory_space<vmem_shared>>) dst(%dma_wait3A_896 : memref<128x32xf32, #tpu.memory_space<vmem>>)
      %dma_wait3A_903 = arith.constant 7 : i32
      %dma_wait3A_904 = arith.constant 896 : i32
      %dma_wait3A_905 = arith.constant 0 : i32
      %dma_wait3A_906 = tpu.memref_slice %arg11[%dma_wait3A_904, %dma_wait3A_905] : memref<1280x32xf32, #tpu.memory_space<vmem>> -> memref<128x32xf32, #tpu.memory_space<vmem>>
      %dma_wait3A_907 = arith.constant 0 : i32
      %dma_wait3A_908 = tpu.memref_slice %arg9[%dma_wait3A_903, %dma_wait3A_907] : memref<10x128xi32, #tpu.memory_space<vmem>> -> memref<1x128xi32, #tpu.memory_space<vmem>>
      %dma_wait3A_909 = tpu.memref_squeeze %dma_wait3A_908 : memref<1x128xi32, #tpu.memory_space<vmem>> -> memref<128xi32, #tpu.memory_space<vmem>>
      %dma_wait3A_910 = arith.constant 0 : i32
      %dma_wait3A_911 = arith.constant 0 : i32
      %dma_wait3A_912 = tpu.memref_slice %arg6[%dma_wait3A_910, %dma_wait3A_911] : memref<513x32xf32, #tpu.memory_space<vmem_shared>> -> memref<513x32xf32, #tpu.memory_space<vmem_shared>>
      tpu.wait_indirect_dma semaphore(%arg13 : memref<!tpu.dma_semaphore, #tpu.memory_space<semaphore_mem>>) src(%dma_wait3A_912 : memref<513x32xf32, #tpu.memory_space<vmem_shared>>) dst(%dma_wait3A_906 : memref<128x32xf32, #tpu.memory_space<vmem>>)
      %dma_wait3A_913 = arith.constant 8 : i32
      %dma_wait3A_914 = arith.constant 1024 : i32
      %dma_wait3A_915 = arith.constant 0 : i32
      %dma_wait3A_916 = tpu.memref_slice %arg11[%dma_wait3A_914, %dma_wait3A_915] : memref<1280x32xf32, #tpu.memory_space<vmem>> -> memref<128x32xf32, #tpu.memory_space<vmem>>
      %dma_wait3A_917 = arith.constant 0 : i32
      %dma_wait3A_918 = tpu.memref_slice %arg9[%dma_wait3A_913, %dma_wait3A_917] : memref<10x128xi32, #tpu.memory_space<vmem>> -> memref<1x128xi32, #tpu.memory_space<vmem>>
      %dma_wait3A_919 = tpu.memref_squeeze %dma_wait3A_918 : memref<1x128xi32, #tpu.memory_space<vmem>> -> memref<128xi32, #tpu.memory_space<vmem>>
      %dma_wait3A_920 = arith.constant 0 : i32
      %dma_wait3A_921 = arith.constant 0 : i32
      %dma_wait3A_922 = tpu.memref_slice %arg6[%dma_wait3A_920, %dma_wait3A_921] : memref<513x32xf32, #tpu.memory_space<vmem_shared>> -> memref<513x32xf32, #tpu.memory_space<vmem_shared>>
      tpu.wait_indirect_dma semaphore(%arg13 : memref<!tpu.dma_semaphore, #tpu.memory_space<semaphore_mem>>) src(%dma_wait3A_922 : memref<513x32xf32, #tpu.memory_space<vmem_shared>>) dst(%dma_wait3A_916 : memref<128x32xf32, #tpu.memory_space<vmem>>)
      %dma_wait3A_923 = arith.constant 9 : i32
      %dma_wait3A_924 = arith.constant 1152 : i32
      %dma_wait3A_925 = arith.constant 0 : i32
      %dma_wait3A_926 = tpu.memref_slice %arg11[%dma_wait3A_924, %dma_wait3A_925] : memref<1280x32xf32, #tpu.memory_space<vmem>> -> memref<128x32xf32, #tpu.memory_space<vmem>>
      %dma_wait3A_927 = arith.constant 0 : i32
      %dma_wait3A_928 = tpu.memref_slice %arg9[%dma_wait3A_923, %dma_wait3A_927] : memref<10x128xi32, #tpu.memory_space<vmem>> -> memref<1x128xi32, #tpu.memory_space<vmem>>
      %dma_wait3A_929 = tpu.memref_squeeze %dma_wait3A_928 : memref<1x128xi32, #tpu.memory_space<vmem>> -> memref<128xi32, #tpu.memory_space<vmem>>
      %dma_wait3A_930 = arith.constant 0 : i32
      %dma_wait3A_931 = arith.constant 0 : i32
      %dma_wait3A_932 = tpu.memref_slice %arg6[%dma_wait3A_930, %dma_wait3A_931] : memref<513x32xf32, #tpu.memory_space<vmem_shared>> -> memref<513x32xf32, #tpu.memory_space<vmem_shared>>
      tpu.wait_indirect_dma semaphore(%arg13 : memref<!tpu.dma_semaphore, #tpu.memory_space<semaphore_mem>>) src(%dma_wait3A_932 : memref<513x32xf32, #tpu.memory_space<vmem_shared>>) dst(%dma_wait3A_926 : memref<128x32xf32, #tpu.memory_space<vmem>>)
      %add3A_933 = arith.constant 1 : i32
      %add3A_934 = arith.addi %mul3A_470, %add3A_933 : i32
      %mul3A_935 = arith.constant 40 : i32
      %mul3A_936 = arith.muli %add3A_934, %mul3A_935 : i32
      %add3A_937 = arith.addi %mul3A_2, %mul3A_936 : i32
      %mul3A_938 = arith.constant 32 : i32
      %mul3A_939 = arith.muli %add3A_937, %mul3A_938 : i32
      %dma_start3A_940 = arith.constant 0 : i32
      %dma_start3A_941 = tpu.memref_slice %arg5[%mul3A_939, %dma_start3A_940] : memref<1638400x32xf32, #tpu.memory_space<hbm>> -> memref<1280x32xf32, #tpu.memory_space<hbm>>
      %dma_start3A_942 = arith.constant 0 : i32
      %dma_start3A_943 = tpu.memref_slice %arg5[%mul3A_939, %dma_start3A_942] : memref<1638400x32xf32, #tpu.memory_space<hbm>> -> memref<1280x32xf32, #tpu.memory_space<hbm>>
      tpu.enqueue_dma source(%arg11 : memref<1280x32xf32, #tpu.memory_space<vmem>>) target(%dma_start3A_943 : memref<1280x32xf32, #tpu.memory_space<hbm>>) target_semaphore(%arg15 : memref<!tpu.dma_semaphore, #tpu.memory_space<semaphore_mem>>)
    }
    %scan3A_451 = arith.constant 19 : i32
    %add3A_452 = arith.constant 1520 : i32
    %add3A_453 = arith.addi %mul3A_2, %add3A_452 : i32
    %mul3A_454 = arith.constant 32 : i32
    %mul3A_455 = arith.muli %add3A_453, %mul3A_454 : i32
    %dma_wait3A_456 = arith.constant 0 : i32
    %dma_wait3A_457 = tpu.memref_slice %arg5[%mul3A_455, %dma_wait3A_456] : memref<1638400x32xf32, #tpu.memory_space<hbm>> -> memref<1280x32xf32, #tpu.memory_space<hbm>>
    %dma_wait3A_458 = arith.constant 0 : i32
    %dma_wait3A_459 = tpu.memref_slice %arg5[%mul3A_455, %dma_wait3A_458] : memref<1638400x32xf32, #tpu.memory_space<hbm>> -> memref<1280x32xf32, #tpu.memory_space<hbm>>
    tpu.wait_dma2 semaphore(%arg14 : memref<!tpu.dma_semaphore, #tpu.memory_space<semaphore_mem>>) src(%arg10 : memref<1280x32xf32, #tpu.memory_space<vmem>>) dst(%dma_wait3A_459 : memref<1280x32xf32, #tpu.memory_space<hbm>>)
    %add3A_460 = arith.constant 1560 : i32
    %add3A_461 = arith.addi %mul3A_2, %add3A_460 : i32
    %mul3A_462 = arith.constant 32 : i32
    %mul3A_463 = arith.muli %add3A_461, %mul3A_462 : i32
    %dma_wait3A_464 = arith.constant 0 : i32
    %dma_wait3A_465 = tpu.memref_slice %arg5[%mul3A_463, %dma_wait3A_464] : memref<1638400x32xf32, #tpu.memory_space<hbm>> -> memref<1280x32xf32, #tpu.memory_space<hbm>>
    %dma_wait3A_466 = arith.constant 0 : i32
    %dma_wait3A_467 = tpu.memref_slice %arg5[%mul3A_463, %dma_wait3A_466] : memref<1638400x32xf32, #tpu.memory_space<hbm>> -> memref<1280x32xf32, #tpu.memory_space<hbm>>
    tpu.wait_dma2 semaphore(%arg15 : memref<!tpu.dma_semaphore, #tpu.memory_space<semaphore_mem>>) src(%arg11 : memref<1280x32xf32, #tpu.memory_space<vmem>>) dst(%dma_wait3A_467 : memref<1280x32xf32, #tpu.memory_space<hbm>>)
    return
  }
}

</mosaic_0001>

<sc_bundles>
// kernel: kernel.3.cloned.1.call-start
scs
__scs_entry_jumppad:
0x0: {  	(pc) =	sbr.rel $0x88, $3  }
0x1: {  	(tag) =	ssettag $0x0;
	lr =	simm.s32 $0x1  }
0x2: {  	[smem:$0x3F9E] =	sst lr;
	_ =	strace $0xD0000000  }
0x3: {  	_ = 	snop  }
0x4: {  	_ = 	snop  }
0x5: {  	_ = 	snop  }
0x6: {  	_ = 	snop  }
0x7: {  	_ = 	snop  }
__scs_overlays_trampoline_lowered:
0x8: {  	[smem:$0x3FAD] =	sst s0  }
0x9: {  	[smem:$0x3FAE] =	sst s1  }
0xa: {  	[smem:$0x3FAF] =	sst s2  }
0xb: {  	[smem:$0x3FB0] =	sst s3  }
0xc: {  	[smem:$0x3FB1] =	sst s4  }
0xd: {  	[smem:$0x3FB2] =	sst s5  }
0xe: {  	[smem:$0x3FB3] =	sst s6  }
0xf: {  	[smem:$0x3FB4] =	sst s7  }
0x10: {  	[smem:$0x3FB5] =	sst s8  }
0x11: {  	[smem:$0x3FB6] =	sst s9;
	s0 =	simm.s32 @!p0 $0x0  }
0x12: {  	s1 =	sld [smem:$0x3F9C];
	s0 =	simm.s32 @p0 $0x1  }
0x13: {  	[smem:$0x3FB7] =	sst s0;
	s0 =	simm.s32 @!p1 $0x0  }
0x14: {  	s2 =	sld [smem:$0x3F9B];
	s0 =	simm.s32 @p1 $0x1  }
0x15: {  	[smem:$0x3FB8] =	sst s0;
	s0 =	simm.s32 @!p2 $0x0  }
0x16: {  	s3 =	sld [smem:$0x3FDB];
	s0 =	simm.s32 @p2 $0x1  }
0x17: {  	s4 =	simm.s32 $0x1BF5;
	[smem:$0x3FBA] =	sst s0  }
0x18: {  	s0 =	sld [smem:$0x3F9D];
	_ =	swait.ge [sflag:s4], $0x0  }
0x19: {  	s7 =	sld [smem:$0x3F9E]  }
0x1a: {  	s8 =	sadd.s32 $0xFFFFE003, lr  }
0x1b: {  	s9 =	sadd.s32 $0xFFFFFEF7, lr;
	s5 =	simm.s32 $0xFFFFFFFF;
	p2 =	slt.u32 s8, $0xFFFFF086  }
0x1c: {  	p1 =	slt.u32 s9, $0xF7A;
	s5 =	simm.s32 @!p2 $0x0  }
0x1d: {  	s5 =	simm.s32 @p1 $0x1;
	p0 =	seq.s32 s7, s2  }
0x1e: {  	s7 =	smul.u32 @!p0 $0xF7A, s2;
	p2 =	seq.s32 @!p0 s5, $0x0  }
0x1f: {  	s9 =	smul.u32 $0xF7A, s1;
	s8 =	simm.s32 @!p0 $0x1BF5;
	p2 =	por !p2, p0  }
0x20: {  	[sflag:s8] =	ssyncset.s32 @!p0 $0xFFFFF086;
	s6 =	sadd.s32 @!p0 s3, s7;
	s7 =	simm.s32 @!p0 $0x108  }
0x21: {  	s3 =	sadd.s32 s3, s9;
	s6 =	sadd.s32 @!p0 $0x88, s6;
	s7 =	simm.s32 @p2 $0x1082  }
0x22: {  	[simem:s7], [sflag:s8] =	dma.local @!p0 [hbm:s6], $0xF7A  }
0x23: {  	s9 =	sor.u32 $0xD0000000, s2;
	s6 =	simm.s32 $0x108;
	_ =	swait.ge @!p0 [sflag:s8], $0x0  }
0x24: {  	s3 =	sadd.s32 $0x88, s3;
	s6 =	simm.s32 @!p1 $0x1082;
	[sflag:s4] =	ssyncset.s32 $0xFFFFF086  }
0x25: {  	[simem:s6], [sflag:s4] =	dma.local [hbm:s3], $0xF7A  }
0x26: {  	[smem:$0x3F9E] =	sst s1;
	(tag) =	ssettag s2;
	_ =	strace s9  }
0x27: {  	s1 =	sld [smem:$0x3FAE]  }
0x28: {  	s2 =	sld [smem:$0x3FAF]  }
0x29: {  	s4 =	sld [smem:$0x3FB1]  }
0x2a: {  	p0 =	seq.s32 s5, $0x0;
	s5 =	sld [smem:$0x3FB2]  }
0x2b: {  	s6 =	sld [smem:$0x3FB3]  }
0x2c: {  	s7 =	sld [smem:$0x3FB4]  }
0x2d: {  	s3 =	simm.s32 $0x108;
	s8 =	sld [smem:$0x3FB5]  }
0x2e: {  	s3 =	simm.s32 @!p0 $0x1082;
	s9 =	sld [smem:$0x3FB6]  }
0x2f: {  	lr =	sadd.s32 s0, s3;
	s0 =	sld [smem:$0x3FAD]  }
0x30: {  	s3 =	sld [smem:$0x3FB0]  }
0x31: {  	[smem:$0x3FB9] =	sst s10  }
0x32: {  	s10 =	sld [smem:$0x3FB7];
	_ =	sdelay $0x3  }
0x33: {  	p0 =	seq.s32 s10, $0x1;
	s10 =	sld [smem:$0x3FB9];
	_ =	sdelay $0x3  }
0x34: {  	[smem:$0x3FB9] =	sst s10  }
0x35: {  	s10 =	sld [smem:$0x3FB8];
	_ =	sdelay $0x3  }
0x36: {  	p1 =	seq.s32 s10, $0x1;
	s10 =	sld [smem:$0x3FB9];
	_ =	sdelay $0x3  }
0x37: {  	[smem:$0x3FB9] =	sst s10  }
0x38: {  	s10 =	sld [smem:$0x3FBA]  }
0x39: {  	_ = 	snop;
	(pc) =	sbr.ind lr, $3  }
0x3a: {  	_ = 	snop  }
0x3b: {  	_ = 	snop  }
0x3c: {  	p2 =	seq.s32 s10, $0x1;
	s10 =	sld [smem:$0x3FB9]  }
0x3d: {  	_ =	shalt  }
0x3e: {  	_ =	shalt  }
0x3f: {  	_ =	shalt  }
0x40: {  	_ =	shalt  }
0x41: {  	_ =	shalt  }
0x42: {  	_ =	shalt  }
0x43: {  	_ =	shalt  }
0x44: {  	_ =	shalt  }
0x45: {  	_ =	shalt  }
0x46: {  	_ =	shalt  }
0x47: {  	_ =	shalt  }
0x48: {  	_ =	shalt  }
0x49: {  	_ =	shalt  }
0x4a: {  	_ =	shalt  }
0x4b: {  	_ =	shalt  }
0x4c: {  	_ =	shalt  }
0x4d: {  	_ =	shalt  }
0x4e: {  	_ =	shalt  }
0x4f: {  	_ =	shalt  }
0x50: {  	_ =	shalt  }
0x51: {  	_ =	shalt  }
0x52: {  	_ =	shalt  }
0x53: {  	_ =	shalt  }
0x54: {  	_ =	shalt  }
0x55: {  	_ =	shalt  }
0x56: {  	_ =	shalt  }
0x57: {  	_ =	shalt  }
0x58: {  	_ =	shalt  }
0x59: {  	_ =	shalt  }
0x5a: {  	_ =	shalt  }
0x5b: {  	_ =	shalt  }
0x5c: {  	_ =	shalt  }
0x5d: {  	_ =	shalt  }
0x5e: {  	_ =	shalt  }
0x5f: {  	_ =	shalt  }
0x60: {  	_ =	shalt  }
0x61: {  	_ =	shalt  }
0x62: {  	_ =	shalt  }
0x63: {  	_ =	shalt  }
0x64: {  	_ =	shalt  }
0x65: {  	_ =	shalt  }
0x66: {  	_ =	shalt  }
0x67: {  	_ =	shalt  }
0x68: {  	_ =	shalt  }
0x69: {  	_ =	shalt  }
0x6a: {  	_ =	shalt  }
0x6b: {  	_ =	shalt  }
0x6c: {  	_ =	shalt  }
0x6d: {  	_ =	shalt  }
0x6e: {  	_ =	shalt  }
0x6f: {  	_ =	shalt  }
0x70: {  	_ =	shalt  }
0x71: {  	_ =	shalt  }
0x72: {  	_ =	shalt  }
0x73: {  	_ =	shalt  }
0x74: {  	_ =	shalt  }
0x75: {  	_ =	shalt  }
0x76: {  	_ =	shalt  }
0x77: {  	_ =	shalt  }
0x78: {  	_ =	shalt  }
0x79: {  	_ =	shalt  }
0x7a: {  	_ =	shalt  }
0x7b: {  	_ =	shalt  }
0x7c: {  	_ =	shalt  }
0x7d: {  	_ =	shalt  }
0x7e: {  	_ =	shalt  }
0x7f: {  	_ =	shalt  }
0x80: {  	_ =	shalt  }
0x81: {  	_ =	shalt  }
0x82: {  	_ =	shalt  }
0x83: {  	_ =	shalt  }
0x84: {  	_ =	shalt  }
0x85: {  	_ =	shalt  }
0x86: {  	_ =	shalt  }
0x87: {  	_ =	shalt  }
.Lfunc_end0:
.L_simem_size_0:
called_computation_lowered:
.L_overlay_start_0:
0x88: {  	s2 =	sld [smem:$0x3FD9]  }
0x89: {  	s3 =	sld [smem:$0x3FFE];
	_ =	sdelay $0x1  }
0x8a: {  	s1 =	srdreg.scid  }
0x8b: {  	s0 =	sand.u32 $0x1, s1  }
0x8c: {  	s16 =	sshll.u32 s0, $0xA;
	s2 =	sadd.s32 s3, s2  }
0x8d: {  	s2 =	sadd.s32 s2, s16  }
0x8e: {  	[smem:$0x3FC5] =	sst s2  }
0x8f: {  	_ = 	snop  }
0x90: {  	(tm) =	ssettm $0x1  }
0x91: {  	s17 =	sld [smem:$0x3FFB];
	_ =	sdelay $0x3  }
0x92: {  	_ =	strace s17  }
0x93: {  	s2 =	sld [smem:$0x3FFC];
	_ =	sdelay $0x3  }
0x94: {  	_ =	strace s2  }
0x95: {  	s2 =	sld [smem:$0x3FFD];
	_ =	sdelay $0x3  }
0x96: {  	_ =	strace s2  }
0x97: {  	_ =	strace $0x8FFFFFFF  }
0x98: {  	s18 =	sld [smem:$0x3FDB];
	_ =	sdelay $0x1  }
0x99: {  	s19 =	simm.s32 $_scs_section_size  }
0x9a: {  	s4 =	simm.s32 $_size__tile_overlayer_lowered;
	s5 =	simm.s32 $_tile_overlayer_lowered  }
0x9b: {  	s22 =	simm.s32 $0x1BFF;
	s21 =	sshll.u32 s5, $0x1;
	s2 =	sadd.s32 s19, s18  }
0x9c: {  	s6 =	simm.s32 $0x0;
	s20 =	sshll.u32 s4, $0x1;
	s4 =	sadd.s32 s21, s2  }
0x9d: {  	[timem:s6], [sflag:s22] =	dma.local [hbm:s4], s20  }
0x9e: {  	_ =	swait.ge [sflag:s22], s20  }
0x9f: {  	s3 =	ssub.s32 $0x0, s20;
	[sflag:s22] =	ssyncset.done $0x0  }
0xa0: {  	[sflag:s22] =	ssyncadd.s32 s3;
	_ =	sdelay $0x1  }
0xa1: {  	s23 =	simm.s32 $0x1B8B  }
0xa2: {  	_ =	swait.ge [sflag:s23], $0x1  }
0xa3: {  	[sflag:s23] =	ssyncset.done $0x0  }
0xa4: {  	s25 =	simm.s32 $0x1B8E;
	s24 =	sld [smem:$0x3FFE];
	[sflag:s23] =	ssyncadd.s32 $0xFFFFFFFF  }
0xa5: {  	s26 =	simm.s32 $execute0_lowered;
	[smem:$0x3FD2] =	sst s25  }
0xa6: {  	s4 =	sshll.u32 s26, $0x1;
	_ =	strace $0x80000046;
	[dreg:$0x1] =	wrdreg $0xFFFFFFFF  }
0xa7: {  	s28 =	simm.s32 $_size_execute0_lowered;
	s2 =	sadd.s32 s2, s4;
	[dreg:$0x0] =	wrdreg $0x0  }
0xa8: {  	s4 =	sshll.u32 s28, $0x1;
	[dreg:$0x2] =	wrdreg s2  }
0xa9: {  	[dreg:$0x3] =	wrdreg s4  }
0xaa: {  	[dreg:$0x4] =	wrdreg $0xC0  }
0xab: {  	_ =	task [dreg:s6], $0x5FFFF  }
0xac: {  	[dreg:$0x1] =	wrdreg $0xFFFFFFFF  }
0xad: {  	[dreg:$0x0] =	wrdreg $0x60  }
0xae: {  	[dreg:$0x2] =	wrdreg s24  }
0xaf: {  	[dreg:$0x3] =	wrdreg $0x0  }
0xb0: {  	[dreg:$0x4] =	wrdreg $0x9  }
0xb1: {  	_ =	task.clear_ibuf [dreg:s6], $0x5FFFF;
	_ =	strace $0x90000046  }
0xb2: {  	s29 =	simm.s32 $0x9;
	_ =	strace $0x80000048  }
0xb3: {  	_ =	swait.ge [sflag:s29], $0x1  }
0xb4: {  	[sflag:s29] =	ssyncadd.s32 $0xFFFFFFFF  }
0xb5: {  	_ =	strace $0x90000048  }
0xb6: {  	_ =	sfence  }
0xb7: {  	s30 =	sld [smem:$0x0];
	_ =	sdelay $0x2  }
0xb8: {  	s31 =	sshll.u32 s1, $0xD;
	s1 =	sshrl.u32 s1, $0x2  }
0xb9: {  	s3 =	sand.u32 $0x4000, s31;
	s1 =	sadd.s32 s1, s30  }
0xba: {  	s0 =	sor.u32 s3, s0;
	s1 =	sshll.u32 s1, $0x11  }
0xbb: {  	s0 =	sor.u32 s1, s0  }
0xbc: {  	s0 =	sadd.s32 $0x8F2B, s0  }
0xbd: {  	[sflag:s0] =	ssyncadd.remote.s32 $0x1  }
0xbe: {  	_ =	sfence.sel $0xFFFF  }
0xbf: {  	[dreg:$0x0] =	wrdreg $0xFFFFFFFF;
	(pc) =	sbr.abs _section_cstart, $3  }
0xc0: {  	[dreg:$0x1] =	wrdreg $0xFFFFFFFF  }
0xc1: {  	_ =	task.clear_ibuf [dreg:s6], $0x2FFFF;
	_ =	strace $0x9FFFFFFF  }
0xc2: {  	(tm) =	ssettm $0x7FFFFFFF  }
0xc3: {  	_ =	shalt  }
tec
execute0_lowered:
.L_overlay_start_1:
0x0: {  	(tag) =	ssettag $0x1  }
0x1: {  	s0 =	rddreg [dreg:$0x0]  }
0x2: {  	s1 =	rddreg [dreg:$0x1];
	s3 =	simm.s32 $0x0;
	s2 =	srdreg.scid  }
0x3: {  	s5 =	stileid.u32;
	s15 =	simm.s32 $0x408;
	s16 =	simm.s32 $0x5  }
0x4: {  	s17 =	simm.s32 $0x28;
	s18 =	simm.s32 $0x430;
	s19 =	simm.s32 $0x1  }
0x5: {  	s28 =	simm.s32 $0xAB0;
	s30 =	simm.s32 $0xB30;
	s11 =	simm.s32 $0xCB0  }
0x6: {  	s13 =	simm.s32 $0xD30;
	s29 =	simm.s32 $0xAE30;
	s12 =	simm.s32 $0x3  }
0x7: {  	s14 =	simm.s32 $0x4;
	[smem:$0x7FF] =	sst s3;
	s2 =	sand.u32 $0x1, s2  }
0x8: {  	s20 =	sshll.u32 s5, $0x1;
	s3 =	sadd.s32 $0xE00, s0;
	s4 =	sadd.s32 $0x2800, s0  }
0x9: {  	s7 =	sadd.s32 $0x400, s0;
	p0 =	sne.s32 s5, $0x0;
	_ =	strace $0x80000047  }
0xa: {  	s6 =	sor.u32 s2, s20;
	[dreg:$0x3] =	wrdreg s7;
	s21 =	ssub.s32 $0x2, s2  }
0xb: {  	s7 =	sadd.s32 $0x64400, s0;
	s10 =	smul.u32 $0x640, s6;
	s2 =	sshrl.u32 s21, $0x1  }
0xc: {  	s20 =	simm.s32 $0x80;
	s6 =	smul.u32 $0x32000, s6;
	s0 =	ssub.s32 s21, s2  }
0xd: {  	s21 =	simm.s32 $0x930;
	s8 =	sshrl.u32 s10, $0x3;
	[dreg:$0x5] =	wrdreg s10  }
0xe: {  	s23 =	sor.u32 $0x28, s10;
	s24 =	sadd.s32 s7, s6;
	s0 =	smax.u32 s0, $0x1  }
0xf: {  	s6 =	simm.s32 $0x0;
	s22 =	sadd.s32 s3, s8;
	[dreg:$0x6] =	wrdreg s24  }
0x10: {  	s25 =	sshrl.u32 s23, $0x3;
	s9 =	smov.u32 s23;
	s26 =	sshll.u32 s23, $0x7  }
0x11: {  	[dreg:$0x9] =	wrdreg s0;
	s0 =	sshrl.u32 @!p0 s1, $0x3;
	s23 =	simm.s32 $0x9B0  }
0x12: {  	s8 =	simm.s32 $0xC30;
	[dreg:$0x4] =	wrdreg s22;
	s2 =	sadd.s32 s3, s25  }
0x13: {  	s31 =	sadd.s32 s7, s26;
	[dreg:$0xa] =	wrdreg s0;
	s22 =	simm.s32 $0xE30  }
0x14: {  	s25 =	simm.s32 $0xA30;
	s0 =	simm.s32 $0xBB0;
	[dreg:$0x7] =	wrdreg s2  }
0x15: {  	s26 =	simm.s32 $0x2;
	[dreg:$0x8] =	wrdreg s31;
	s2 =	simm.s32 $0xDB0  }
.LBB2_1:
0x16: {  	[dreg:$0xb] =	wrdreg s6  }
0x17: {  	s6 =	rddreg [dreg:$0x3]  }
0x18: {  	s5 =	simm.s32 @!p0 $0x1C05;
	s10 =	rddreg [dreg:$0xa]  }
0x19: {  	[spmem:s10], [sflag:s5] =	dma.local @!p0 [hbm:s6], $0x804  }
0x1a: {  	s5 =	simm.s32 @!p0 $0x5  }
0x1b: {  	_ =	swait.ge @!p0 [sflag:s5], $0x804  }
0x1c: {  	[sflag:s5] =	ssyncset.done @!p0 $0x0  }
0x1d: {  	[sflag:s5] =	ssyncadd.s32 @!p0 $0xFFFFF7FC  }
0x1e: {  	[bflag:$0x0] =	sbarrier.arrive $0xFFFF  }
0x1f: {  	s24 =	simm.s32 $0x0;
	s31 =	rddreg [dreg:$0x4]  }
0x20: {  	[tilespmem:s15], [sflag:$0x5] =	stream.linear.gather [hbm4b:s31+s24], $0x28, $0x38;
	[tilespmem:$0x14E30] =	vst v63  }
0x21: {  	_ =	swait.ge [sflag:s16], $0x28  }
0x22: {  	[sflag:s16] =	ssyncset.done $0x0  }
0x23: {  	[sflag:s16] =	ssyncadd.s32 $0xFFFFFFD8  }
0x24: {  	[tilespmem:s18], [sflag:$0x1] =	stream.indirect.gather [hbm4b:s4+s17], $0x20, s15, s17, $0xb8;
	[tilespmem:$0x14E30] =	vst v63  }
0x25: {  	_ =	swait.ge [sflag:s19], $0x500  }
0x26: {  	[sflag:s19] =	ssyncset.done $0x0  }
0x27: {  	s6 =	sand.u32 $0x7F0, s24;
	[sflag:s19] =	ssyncadd.s32 $0xFFFFFB00  }
0x28: {  	s10 =	simm.s32 $0x10;
	v0 =	vld [tilespmem:s6+$0x430]  }
.LBB2_2:
0x29: {  	p1 =	sne.s32 s10, $0x4F0  }
.Ltmp0:
0x2a: {  	_ = 	snop;
	(pc) =	sbr.rel @p1 .LBB2_2-.Ltmp0, $3  }
0x2b: {  	_ =	sdelay $0x1  }
0x2c: {  	[tilespmem:s6+$0x930] =	vst v0;
	s6 =	sand.u32 $0x7F0, s10;
	s10 =	sadd.s32 $0x10, s10  }
0x2d: {  	v0 =	vld [tilespmem:s6+$0x430]  }
0x2e: {  	_ =	sdelay $0x3  }
0x2f: {  	[tilespmem:s6+$0x930] =	vst v0  }
0x30: {  	[tilespmem:s22], [sflag:$0x2] =	stream.indirect.gather [spmem:s1], $0x20, s21, s20, $0xb8;
	[tilespmem:$0x14E30] =	vst v63  }
0x31: {  	s5 =	simm.s32 $0x1E30  }
0x32: {  	[tilespmem:s5], [sflag:$0x2] =	stream.indirect.gather [spmem:s1], $0x20, s23, s20, $0xb8;
	[tilespmem:$0x14E30] =	vst v63  }
0x33: {  	s10 =	simm.s32 $0x2E30  }
0x34: {  	[tilespmem:s10], [sflag:$0x2] =	stream.indirect.gather [spmem:s1], $0x20, s25, s20, $0xb8;
	[tilespmem:$0x14E30] =	vst v63  }
0x35: {  	s24 =	simm.s32 $0x3E30  }
0x36: {  	[tilespmem:s24], [sflag:$0x2] =	stream.indirect.gather [spmem:s1], $0x20, s28, s20, $0xb8;
	[tilespmem:$0x14E30] =	vst v63  }
0x37: {  	s31 =	simm.s32 $0x4E30  }
0x38: {  	[tilespmem:s31], [sflag:$0x2] =	stream.indirect.gather [spmem:s1], $0x20, s30, s20, $0xb8;
	[tilespmem:$0x14E30] =	vst v63  }
0x39: {  	s6 =	simm.s32 $0x5E30  }
0x3a: {  	[tilespmem:s6], [sflag:$0x2] =	stream.indirect.gather [spmem:s1], $0x20, s0, s20, $0xb8;
	[tilespmem:$0x14E30] =	vst v63  }
0x3b: {  	s10 =	simm.s32 $0x6E30  }
0x3c: {  	[tilespmem:s10], [sflag:$0x2] =	stream.indirect.gather [spmem:s1], $0x20, s8, s20, $0xb8;
	[tilespmem:$0x14E30] =	vst v63  }
0x3d: {  	s24 =	simm.s32 $0x7E30  }
0x3e: {  	[tilespmem:s24], [sflag:$0x2] =	stream.indirect.gather [spmem:s1], $0x20, s11, s20, $0xb8;
	[tilespmem:$0x14E30] =	vst v63  }
0x3f: {  	s31 =	simm.s32 $0x8E30  }
0x40: {  	[tilespmem:s31], [sflag:$0x2] =	stream.indirect.gather [spmem:s1], $0x20, s13, s20, $0xb8;
	[tilespmem:$0x14E30] =	vst v63  }
0x41: {  	s6 =	simm.s32 $0x9E30  }
0x42: {  	[tilespmem:s6], [sflag:$0x2] =	stream.indirect.gather [spmem:s1], $0x20, s2, s20, $0xb8;
	[tilespmem:$0x14E30] =	vst v63  }
0x43: {  	_ =	swait.ge [sflag:s26], $0x1000  }
0x44: {  	[sflag:s26] =	ssyncset.done $0x0  }
0x45: {  	[sflag:s26] =	ssyncadd.s32 $0xFFFFF000  }
0x46: {  	_ =	swait.ge [sflag:s26], $0x1000  }
0x47: {  	[sflag:s26] =	ssyncset.done $0x0  }
0x48: {  	[sflag:s26] =	ssyncadd.s32 $0xFFFFF000  }
0x49: {  	_ =	swait.ge [sflag:s26], $0x1000  }
0x4a: {  	[sflag:s26] =	ssyncset.done $0x0  }
0x4b: {  	[sflag:s26] =	ssyncadd.s32 $0xFFFFF000  }
0x4c: {  	_ =	swait.ge [sflag:s26], $0x1000  }
0x4d: {  	[sflag:s26] =	ssyncset.done $0x0  }
0x4e: {  	[sflag:s26] =	ssyncadd.s32 $0xFFFFF000  }
0x4f: {  	_ =	swait.ge [sflag:s26], $0x1000  }
0x50: {  	[sflag:s26] =	ssyncset.done $0x0  }
0x51: {  	[sflag:s26] =	ssyncadd.s32 $0xFFFFF000  }
0x52: {  	_ =	swait.ge [sflag:s26], $0x1000  }
0x53: {  	[sflag:s26] =	ssyncset.done $0x0  }
0x54: {  	[sflag:s26] =	ssyncadd.s32 $0xFFFFF000  }
0x55: {  	_ =	swait.ge [sflag:s26], $0x1000  }
0x56: {  	[sflag:s26] =	ssyncset.done $0x0  }
0x57: {  	[sflag:s26] =	ssyncadd.s32 $0xFFFFF000  }
0x58: {  	_ =	swait.ge [sflag:s26], $0x1000  }
0x59: {  	[sflag:s26] =	ssyncset.done $0x0  }
0x5a: {  	[sflag:s26] =	ssyncadd.s32 $0xFFFFF000  }
0x5b: {  	_ =	swait.ge [sflag:s26], $0x1000  }
0x5c: {  	[sflag:s26] =	ssyncset.done $0x0  }
0x5d: {  	[sflag:s26] =	ssyncadd.s32 $0xFFFFF000  }
0x5e: {  	_ =	swait.ge [sflag:s26], $0x1000  }
0x5f: {  	[sflag:s26] =	ssyncset.done $0x0  }
0x60: {  	s10 =	simm.s32 $0x0;
	s24 =	rddreg [dreg:$0x6];
	[sflag:s26] =	ssyncadd.s32 $0xFFFFF000  }
0x61: {  	[hbm4b:s24+s10] =	stream.linear.scatter [tilespmem:s22], [sflag:$0x3], $0xA000, $0x38;
	[tilespmem:$0x14E30] =	vst v63  }
0x62: {  	s31 =	rddreg [dreg:$0x7]  }
0x63: {  	[tilespmem:s15], [sflag:$0x5] =	stream.linear.gather [hbm4b:s31+s10], $0x28, $0x38;
	[tilespmem:$0x14E30] =	vst v63  }
0x64: {  	_ =	swait.ge [sflag:s16], $0x28  }
0x65: {  	[sflag:s16] =	ssyncset.done $0x0  }
0x66: {  	[sflag:s16] =	ssyncadd.s32 $0xFFFFFFD8  }
0x67: {  	[tilespmem:s18], [sflag:$0x1] =	stream.indirect.gather [hbm4b:s4+s17], $0x20, s15, s17, $0xb8;
	[tilespmem:$0x14E30] =	vst v63  }
0x68: {  	_ =	swait.ge [sflag:s19], $0x500  }
0x69: {  	[sflag:s19] =	ssyncset.done $0x0  }
0x6a: {  	s6 =	sand.u32 $0x7F0, s10;
	[sflag:s19] =	ssyncadd.s32 $0xFFFFFB00  }
0x6b: {  	s10 =	simm.s32 $0x10;
	v0 =	vld [tilespmem:s6+$0x430]  }
.LBB2_4:
0x6c: {  	p1 =	sne.s32 s10, $0x4F0  }
.Ltmp1:
0x6d: {  	_ = 	snop;
	(pc) =	sbr.rel @p1 .LBB2_4-.Ltmp1, $3  }
0x6e: {  	_ =	sdelay $0x1  }
0x6f: {  	[tilespmem:s6+$0x930] =	vst v0;
	s6 =	sand.u32 $0x7F0, s10;
	s10 =	sadd.s32 $0x10, s10  }
0x70: {  	v0 =	vld [tilespmem:s6+$0x430]  }
0x71: {  	_ =	sdelay $0x3  }
0x72: {  	[tilespmem:s6+$0x930] =	vst v0  }
0x73: {  	[tilespmem:s29], [sflag:$0x2] =	stream.indirect.gather [spmem:s1], $0x20, s21, s20, $0xb8;
	[tilespmem:$0x14E30] =	vst v63  }
0x74: {  	s5 =	simm.s32 $0xBE30  }
0x75: {  	[tilespmem:s5], [sflag:$0x2] =	stream.indirect.gather [spmem:s1], $0x20, s23, s20, $0xb8;
	[tilespmem:$0x14E30] =	vst v63  }
0x76: {  	s24 =	simm.s32 $0xCE30  }
0x77: {  	[tilespmem:s24], [sflag:$0x2] =	stream.indirect.gather [spmem:s1], $0x20, s25, s20, $0xb8;
	[tilespmem:$0x14E30] =	vst v63  }
0x78: {  	s31 =	simm.s32 $0xDE30  }
0x79: {  	[tilespmem:s31], [sflag:$0x2] =	stream.indirect.gather [spmem:s1], $0x20, s28, s20, $0xb8;
	[tilespmem:$0x14E30] =	vst v63  }
0x7a: {  	s6 =	simm.s32 $0xEE30  }
0x7b: {  	[tilespmem:s6], [sflag:$0x2] =	stream.indirect.gather [spmem:s1], $0x20, s30, s20, $0xb8;
	[tilespmem:$0x14E30] =	vst v63  }
0x7c: {  	s10 =	simm.s32 $0xFE30  }
0x7d: {  	[tilespmem:s10], [sflag:$0x2] =	stream.indirect.gather [spmem:s1], $0x20, s0, s20, $0xb8;
	[tilespmem:$0x14E30] =	vst v63  }
0x7e: {  	s24 =	simm.s32 $0x10E30  }
0x7f: {  	[tilespmem:s24], [sflag:$0x2] =	stream.indirect.gather [spmem:s1], $0x20, s8, s20, $0xb8;
	[tilespmem:$0x14E30] =	vst v63  }
0x80: {  	s31 =	simm.s32 $0x11E30  }
0x81: {  	[tilespmem:s31], [sflag:$0x2] =	stream.indirect.gather [spmem:s1], $0x20, s11, s20, $0xb8;
	[tilespmem:$0x14E30] =	vst v63  }
0x82: {  	s6 =	simm.s32 $0x12E30  }
0x83: {  	[tilespmem:s6], [sflag:$0x2] =	stream.indirect.gather [spmem:s1], $0x20, s13, s20, $0xb8;
	[tilespmem:$0x14E30] =	vst v63  }
0x84: {  	s10 =	simm.s32 $0x13E30  }
0x85: {  	[tilespmem:s10], [sflag:$0x2] =	stream.indirect.gather [spmem:s1], $0x20, s2, s20, $0xb8;
	[tilespmem:$0x14E30] =	vst v63  }
0x86: {  	_ =	swait.ge [sflag:s26], $0x1000  }
0x87: {  	[sflag:s26] =	ssyncset.done $0x0  }
0x88: {  	[sflag:s26] =	ssyncadd.s32 $0xFFFFF000  }
0x89: {  	_ =	swait.ge [sflag:s26], $0x1000  }
0x8a: {  	[sflag:s26] =	ssyncset.done $0x0  }
0x8b: {  	[sflag:s26] =	ssyncadd.s32 $0xFFFFF000  }
0x8c: {  	_ =	swait.ge [sflag:s26], $0x1000  }
0x8d: {  	[sflag:s26] =	ssyncset.done $0x0  }
0x8e: {  	[sflag:s26] =	ssyncadd.s32 $0xFFFFF000  }
0x8f: {  	_ =	swait.ge [sflag:s26], $0x1000  }
0x90: {  	[sflag:s26] =	ssyncset.done $0x0  }
0x91: {  	[sflag:s26] =	ssyncadd.s32 $0xFFFFF000  }
0x92: {  	_ =	swait.ge [sflag:s26], $0x1000  }
0x93: {  	[sflag:s26] =	ssyncset.done $0x0  }
0x94: {  	[sflag:s26] =	ssyncadd.s32 $0xFFFFF000  }
0x95: {  	_ =	swait.ge [sflag:s26], $0x1000  }
0x96: {  	[sflag:s26] =	ssyncset.done $0x0  }
0x97: {  	[sflag:s26] =	ssyncadd.s32 $0xFFFFF000  }
0x98: {  	_ =	swait.ge [sflag:s26], $0x1000  }
0x99: {  	[sflag:s26] =	ssyncset.done $0x0  }
0x9a: {  	[sflag:s26] =	ssyncadd.s32 $0xFFFFF000  }
0x9b: {  	_ =	swait.ge [sflag:s26], $0x1000  }
0x9c: {  	[sflag:s26] =	ssyncset.done $0x0  }
0x9d: {  	[sflag:s26] =	ssyncadd.s32 $0xFFFFF000  }
0x9e: {  	_ =	swait.ge [sflag:s26], $0x1000  }
0x9f: {  	[sflag:s26] =	ssyncset.done $0x0  }
0xa0: {  	[sflag:s26] =	ssyncadd.s32 $0xFFFFF000  }
0xa1: {  	_ =	swait.ge [sflag:s26], $0x1000  }
0xa2: {  	[sflag:s26] =	ssyncset.done $0x0  }
0xa3: {  	s24 =	simm.s32 $0x0;
	s31 =	rddreg [dreg:$0x8];
	[sflag:s26] =	ssyncadd.s32 $0xFFFFF000  }
0xa4: {  	[hbm4b:s31+s24] =	stream.linear.scatter [tilespmem:s29], [sflag:$0x4], $0xA000, $0x38;
	[tilespmem:$0x14E30] =	vst v63  }
0xa5: {  	s24 =	simm.s32 $0x1  }
.LBB2_6:
0xa6: {  	s31 =	smul.u32 $0x50, s24;
	_ =	swait.ge [sflag:s12], $0xA000  }
0xa7: {  	s5 =	rddreg [dreg:$0x5]  }
0xa8: {  	s6 =	sadd.s32 s5, s31  }
0xa9: {  	[sflag:s12] =	ssyncset.done $0x0;
	s5 =	sshrl.u32 s6, $0x3  }
0xaa: {  	s10 =	simm.s32 $0x0;
	[sflag:s12] =	ssyncadd.s32 $0xFFFF6000;
	s5 =	sadd.s32 s3, s5  }
0xab: {  	[tilespmem:s15], [sflag:$0x5] =	stream.linear.gather [hbm4b:s5+s10], $0x28, $0x38;
	[tilespmem:$0x14E30] =	vst v63  }
0xac: {  	_ =	swait.ge [sflag:s16], $0x28  }
0xad: {  	[sflag:s16] =	ssyncset.done $0x0  }
0xae: {  	[sflag:s16] =	ssyncadd.s32 $0xFFFFFFD8  }
0xaf: {  	[tilespmem:s18], [sflag:$0x1] =	stream.indirect.gather [hbm4b:s4+s17], $0x20, s15, s17, $0xb8;
	[tilespmem:$0x14E30] =	vst v63  }
0xb0: {  	_ =	swait.ge [sflag:s19], $0x500  }
0xb1: {  	[sflag:s19] =	ssyncset.done $0x0  }
0xb2: {  	s10 =	sand.u32 $0x7F0, s10;
	[sflag:s19] =	ssyncadd.s32 $0xFFFFFB00  }
0xb3: {  	s5 =	simm.s32 $0x10;
	v0 =	vld [tilespmem:s10+$0x430]  }
.LBB2_7:
0xb4: {  	p1 =	sne.s32 s5, $0x4F0  }
.Ltmp2:
0xb5: {  	_ = 	snop;
	(pc) =	sbr.rel @p1 .LBB2_7-.Ltmp2, $3  }
0xb6: {  	_ =	sdelay $0x1  }
0xb7: {  	[tilespmem:s10+$0x930] =	vst v0;
	s10 =	sand.u32 $0x7F0, s5;
	s5 =	sadd.s32 $0x10, s5  }
0xb8: {  	v0 =	vld [tilespmem:s10+$0x430]  }
0xb9: {  	_ =	sdelay $0x3  }
0xba: {  	[tilespmem:s10+$0x930] =	vst v0  }
0xbb: {  	[tilespmem:s22], [sflag:$0x2] =	stream.indirect.gather [spmem:s1], $0x20, s21, s20, $0xb8;
	[tilespmem:$0x14E30] =	vst v63  }
0xbc: {  	s5 =	simm.s32 $0x1E30  }
0xbd: {  	[tilespmem:s5], [sflag:$0x2] =	stream.indirect.gather [spmem:s1], $0x20, s23, s20, $0xb8;
	[tilespmem:$0x14E30] =	vst v63  }
0xbe: {  	s10 =	simm.s32 $0x2E30  }
0xbf: {  	[tilespmem:s10], [sflag:$0x2] =	stream.indirect.gather [spmem:s1], $0x20, s25, s20, $0xb8;
	[tilespmem:$0x14E30] =	vst v63  }
0xc0: {  	s10 =	simm.s32 $0x3E30  }
0xc1: {  	[tilespmem:s10], [sflag:$0x2] =	stream.indirect.gather [spmem:s1], $0x20, s28, s20, $0xb8;
	[tilespmem:$0x14E30] =	vst v63  }
0xc2: {  	s10 =	simm.s32 $0x4E30  }
0xc3: {  	[tilespmem:s10], [sflag:$0x2] =	stream.indirect.gather [spmem:s1], $0x20, s30, s20, $0xb8;
	[tilespmem:$0x14E30] =	vst v63  }
0xc4: {  	s10 =	simm.s32 $0x5E30  }
0xc5: {  	[tilespmem:s10], [sflag:$0x2] =	stream.indirect.gather [spmem:s1], $0x20, s0, s20, $0xb8;
	[tilespmem:$0x14E30] =	vst v63  }
0xc6: {  	s10 =	simm.s32 $0x6E30  }
0xc7: {  	[tilespmem:s10], [sflag:$0x2] =	stream.indirect.gather [spmem:s1], $0x20, s8, s20, $0xb8;
	[tilespmem:$0x14E30] =	vst v63  }
0xc8: {  	s10 =	simm.s32 $0x7E30  }
0xc9: {  	[tilespmem:s10], [sflag:$0x2] =	stream.indirect.gather [spmem:s1], $0x20, s11, s20, $0xb8;
	[tilespmem:$0x14E30] =	vst v63  }
0xca: {  	s10 =	simm.s32 $0x8E30  }
0xcb: {  	[tilespmem:s10], [sflag:$0x2] =	stream.indirect.gather [spmem:s1], $0x20, s13, s20, $0xb8;
	[tilespmem:$0x14E30] =	vst v63  }
0xcc: {  	s10 =	simm.s32 $0x9E30  }
0xcd: {  	[tilespmem:s10], [sflag:$0x2] =	stream.indirect.gather [spmem:s1], $0x20, s2, s20, $0xb8;
	[tilespmem:$0x14E30] =	vst v63  }
0xce: {  	_ =	swait.ge [sflag:s26], $0x1000  }
0xcf: {  	[sflag:s26] =	ssyncset.done $0x0  }
0xd0: {  	[sflag:s26] =	ssyncadd.s32 $0xFFFFF000  }
0xd1: {  	_ =	swait.ge [sflag:s26], $0x1000  }
0xd2: {  	[sflag:s26] =	ssyncset.done $0x0  }
0xd3: {  	[sflag:s26] =	ssyncadd.s32 $0xFFFFF000  }
0xd4: {  	_ =	swait.ge [sflag:s26], $0x1000  }
0xd5: {  	[sflag:s26] =	ssyncset.done $0x0  }
0xd6: {  	[sflag:s26] =	ssyncadd.s32 $0xFFFFF000  }
0xd7: {  	_ =	swait.ge [sflag:s26], $0x1000  }
0xd8: {  	[sflag:s26] =	ssyncset.done $0x0  }
0xd9: {  	[sflag:s26] =	ssyncadd.s32 $0xFFFFF000  }
0xda: {  	_ =	swait.ge [sflag:s26], $0x1000  }
0xdb: {  	[sflag:s26] =	ssyncset.done $0x0  }
0xdc: {  	[sflag:s26] =	ssyncadd.s32 $0xFFFFF000  }
0xdd: {  	_ =	swait.ge [sflag:s26], $0x1000  }
0xde: {  	[sflag:s26] =	ssyncset.done $0x0  }
0xdf: {  	[sflag:s26] =	ssyncadd.s32 $0xFFFFF000  }
0xe0: {  	_ =	swait.ge [sflag:s26], $0x1000  }
0xe1: {  	[sflag:s26] =	ssyncset.done $0x0  }
0xe2: {  	[sflag:s26] =	ssyncadd.s32 $0xFFFFF000  }
0xe3: {  	_ =	swait.ge [sflag:s26], $0x1000  }
0xe4: {  	[sflag:s26] =	ssyncset.done $0x0  }
0xe5: {  	[sflag:s26] =	ssyncadd.s32 $0xFFFFF000  }
0xe6: {  	_ =	swait.ge [sflag:s26], $0x1000  }
0xe7: {  	[sflag:s26] =	ssyncset.done $0x0  }
0xe8: {  	[sflag:s26] =	ssyncadd.s32 $0xFFFFF000  }
0xe9: {  	s10 =	sshll.u32 s6, $0x7;
	_ =	swait.ge [sflag:s26], $0x1000  }
0xea: {  	s5 =	sand.u32 $0x1FFFF800, s10;
	[sflag:s26] =	ssyncset.done $0x0  }
0xeb: {  	s10 =	simm.s32 $0x0;
	s5 =	sadd.s32 s7, s5;
	[sflag:s26] =	ssyncadd.s32 $0xFFFFF000  }
0xec: {  	[hbm4b:s5+s10] =	stream.linear.scatter [tilespmem:s22], [sflag:$0x3], $0xA000, $0x38;
	[tilespmem:$0x14E30] =	vst v63  }
0xed: {  	s6 =	sadd.s32 s31, s9;
	_ =	swait.ge [sflag:s14], $0xA000  }
0xee: {  	s31 =	sshrl.u32 s6, $0x3;
	[sflag:s14] =	ssyncset.done $0x0  }
0xef: {  	s5 =	sadd.s32 s3, s31;
	[sflag:s14] =	ssyncadd.s32 $0xFFFF6000  }
0xf0: {  	[tilespmem:s15], [sflag:$0x5] =	stream.linear.gather [hbm4b:s5+s10], $0x28, $0x38;
	[tilespmem:$0x14E30] =	vst v63  }
0xf1: {  	_ =	swait.ge [sflag:s16], $0x28  }
0xf2: {  	[sflag:s16] =	ssyncset.done $0x0  }
0xf3: {  	[sflag:s16] =	ssyncadd.s32 $0xFFFFFFD8  }
0xf4: {  	[tilespmem:s18], [sflag:$0x1] =	stream.indirect.gather [hbm4b:s4+s17], $0x20, s15, s17, $0xb8;
	[tilespmem:$0x14E30] =	vst v63  }
0xf5: {  	_ =	swait.ge [sflag:s19], $0x500  }
0xf6: {  	[sflag:s19] =	ssyncset.done $0x0  }
0xf7: {  	s10 =	sand.u32 $0x7F0, s10;
	[sflag:s19] =	ssyncadd.s32 $0xFFFFFB00  }
0xf8: {  	s5 =	simm.s32 $0x10;
	v0 =	vld [tilespmem:s10+$0x430]  }
.LBB2_9:
0xf9: {  	p1 =	sne.s32 s5, $0x4F0  }
.Ltmp3:
0xfa: {  	_ = 	snop;
	(pc) =	sbr.rel @p1 .LBB2_9-.Ltmp3, $3  }
0xfb: {  	_ =	sdelay $0x1  }
0xfc: {  	[tilespmem:s10+$0x930] =	vst v0;
	s10 =	sand.u32 $0x7F0, s5;
	s5 =	sadd.s32 $0x10, s5  }
0xfd: {  	v0 =	vld [tilespmem:s10+$0x430]  }
0xfe: {  	_ =	sdelay $0x3  }
0xff: {  	[tilespmem:s10+$0x930] =	vst v0  }
0x100: {  	[tilespmem:s29], [sflag:$0x2] =	stream.indirect.gather [spmem:s1], $0x20, s21, s20, $0xb8;
	[tilespmem:$0x14E30] =	vst v63  }
0x101: {  	s5 =	simm.s32 $0xBE30  }
0x102: {  	[tilespmem:s5], [sflag:$0x2] =	stream.indirect.gather [spmem:s1], $0x20, s23, s20, $0xb8;
	[tilespmem:$0x14E30] =	vst v63  }
0x103: {  	s10 =	simm.s32 $0xCE30  }
0x104: {  	[tilespmem:s10], [sflag:$0x2] =	stream.indirect.gather [spmem:s1], $0x20, s25, s20, $0xb8;
	[tilespmem:$0x14E30] =	vst v63  }
0x105: {  	s31 =	simm.s32 $0xDE30  }
0x106: {  	[tilespmem:s31], [sflag:$0x2] =	stream.indirect.gather [spmem:s1], $0x20, s28, s20, $0xb8;
	[tilespmem:$0x14E30] =	vst v63  }
0x107: {  	s10 =	simm.s32 $0xEE30  }
0x108: {  	[tilespmem:s10], [sflag:$0x2] =	stream.indirect.gather [spmem:s1], $0x20, s30, s20, $0xb8;
	[tilespmem:$0x14E30] =	vst v63  }
0x109: {  	s31 =	simm.s32 $0xFE30  }
0x10a: {  	[tilespmem:s31], [sflag:$0x2] =	stream.indirect.gather [spmem:s1], $0x20, s0, s20, $0xb8;
	[tilespmem:$0x14E30] =	vst v63  }
0x10b: {  	s10 =	simm.s32 $0x10E30  }
0x10c: {  	[tilespmem:s10], [sflag:$0x2] =	stream.indirect.gather [spmem:s1], $0x20, s8, s20, $0xb8;
	[tilespmem:$0x14E30] =	vst v63  }
0x10d: {  	s31 =	simm.s32 $0x11E30  }
0x10e: {  	[tilespmem:s31], [sflag:$0x2] =	stream.indirect.gather [spmem:s1], $0x20, s11, s20, $0xb8;
	[tilespmem:$0x14E30] =	vst v63  }
0x10f: {  	s10 =	simm.s32 $0x12E30  }
0x110: {  	[tilespmem:s10], [sflag:$0x2] =	stream.indirect.gather [spmem:s1], $0x20, s13, s20, $0xb8;
	[tilespmem:$0x14E30] =	vst v63  }
0x111: {  	s31 =	simm.s32 $0x13E30  }
0x112: {  	[tilespmem:s31], [sflag:$0x2] =	stream.indirect.gather [spmem:s1], $0x20, s2, s20, $0xb8;
	[tilespmem:$0x14E30] =	vst v63  }
0x113: {  	_ =	swait.ge [sflag:s26], $0x1000  }
0x114: {  	[sflag:s26] =	ssyncset.done $0x0  }
0x115: {  	[sflag:s26] =	ssyncadd.s32 $0xFFFFF000  }
0x116: {  	_ =	swait.ge [sflag:s26], $0x1000  }
0x117: {  	[sflag:s26] =	ssyncset.done $0x0  }
0x118: {  	[sflag:s26] =	ssyncadd.s32 $0xFFFFF000  }
0x119: {  	_ =	swait.ge [sflag:s26], $0x1000  }
0x11a: {  	[sflag:s26] =	ssyncset.done $0x0  }
0x11b: {  	[sflag:s26] =	ssyncadd.s32 $0xFFFFF000  }
0x11c: {  	_ =	swait.ge [sflag:s26], $0x1000  }
0x11d: {  	[sflag:s26] =	ssyncset.done $0x0  }
0x11e: {  	[sflag:s26] =	ssyncadd.s32 $0xFFFFF000  }
0x11f: {  	_ =	swait.ge [sflag:s26], $0x1000  }
0x120: {  	[sflag:s26] =	ssyncset.done $0x0  }
0x121: {  	[sflag:s26] =	ssyncadd.s32 $0xFFFFF000  }
0x122: {  	_ =	swait.ge [sflag:s26], $0x1000  }
0x123: {  	[sflag:s26] =	ssyncset.done $0x0  }
0x124: {  	[sflag:s26] =	ssyncadd.s32 $0xFFFFF000  }
0x125: {  	_ =	swait.ge [sflag:s26], $0x1000  }
0x126: {  	[sflag:s26] =	ssyncset.done $0x0  }
0x127: {  	[sflag:s26] =	ssyncadd.s32 $0xFFFFF000  }
0x128: {  	_ =	swait.ge [sflag:s26], $0x1000  }
0x129: {  	[sflag:s26] =	ssyncset.done $0x0  }
0x12a: {  	[sflag:s26] =	ssyncadd.s32 $0xFFFFF000  }
0x12b: {  	s24 =	sadd.s32 $0x1, s24;
	_ =	swait.ge [sflag:s26], $0x1000  }
0x12c: {  	p1 =	sne.s32 s24, $0x14;
	[sflag:s26] =	ssyncset.done $0x0  }
.Ltmp4:
0x12d: {  	[sflag:s26] =	ssyncadd.s32 $0xFFFFF000;
	(pc) =	sbr.rel @p1 .LBB2_6-.Ltmp4, $4  }
0x12e: {  	s10 =	sshll.u32 s6, $0x7;
	_ =	swait.ge [sflag:s26], $0x1000  }
0x12f: {  	s5 =	sand.u32 $0x1FFFFC00, s10;
	[sflag:s26] =	ssyncset.done $0x0  }
0x130: {  	s5 =	sadd.s32 s7, s5;
	s31 =	simm.s32 $0x0;
	[sflag:s26] =	ssyncadd.s32 $0xFFFFF000  }
0x131: {  	[hbm4b:s5+s31] =	stream.linear.scatter [tilespmem:s29], [sflag:$0x4], $0xA000, $0x38;
	[tilespmem:$0x14E30] =	vst v63  }
0x132: {  	_ =	swait.ge [sflag:s12], $0xA000  }
0x133: {  	[sflag:s12] =	ssyncset.done $0x0  }
0x134: {  	[sflag:s12] =	ssyncadd.s32 $0xFFFF6000  }
0x135: {  	_ =	swait.ge [sflag:s14], $0xA000  }
0x136: {  	s6 =	rddreg [dreg:$0xb]  }
0x137: {  	s5 =	rddreg [dreg:$0x9];
	s6 =	sadd.s32 $0x1, s6  }
0x138: {  	p1 =	sne.s32 s6, s5  }
.Ltmp5:
0x139: {  	_ = 	snop;
	(pc) =	sbr.rel @p1 .LBB2_1-.Ltmp5, $3  }
0x13a: {  	_ =	sdelay $0x1  }
0x13b: {  	[sflag:s14] =	ssyncset.done $0x0  }
0x13c: {  	[sflag:s14] =	ssyncadd.s32 $0xFFFF6000  }
0x13d: {  	_ =	sfence.sel $0x180000  }
0x13e: {  	[bflag:$0x0] =	sbarrier.arrive $0xFFFF  }
0x13f: {  	_ =	strace $0x90000047  }
0x140: {  	[bflag:$0x2] =	sbarrier.arrive $0xFFFF  }
0x141: {  	s0 =	rddreg [dreg:$0x2]  }
0x142: {  	s0 =	sadd.s32 @!p0 $0x100000, s0  }
0x143: {  	[sflag:s0] =	ssyncadd.tile.s32 @!p0 $0x1;
	_ =	shalt  }
.Lfunc_end2:
_tile_overlayer_lowered:
.L_overlay_start_2:
0x144: {  	(tag) =	ssettag $0x2  }
0x145: {  	s0 =	rddreg [dreg:$0x0];
	s2 =	stileid.u32  }
0x146: {  	s1 =	rddreg [dreg:$0x1];
	p0 =	sne.s32 s2, $0x0  }
0x147: {  	s3 =	rddreg [dreg:$0x2];
	[bflag:$0x3] =	sbarrier.arrive $0xFFFF;
	s2 =	simm.s32 @!p0 $0x1C05  }
0x148: {  	[timem:s3], [sflag:s2] =	dma.local @!p0 [hbm:s0], s1  }
0x149: {  	s0 =	simm.s32 @!p0 $0x5  }
0x14a: {  	_ =	swait.ge @!p0 [sflag:s0], s1  }
0x14b: {  	s1 =	ssub.s32 @!p0 $0x0, s1;
	[sflag:s0] =	ssyncset.done @!p0 $0x0  }
0x14c: {  	[sflag:s0] =	ssyncadd.s32 @!p0 s1  }
0x14d: {  	[bflag:$0x3] =	sbarrier.arrive $0xFFFF  }
0x14e: {  	_ =	shalt  }

</sc_bundles>
